<compile_context>
chip_gen: v7x
topology: tpu7x:2x2x1
jax: 0.10.2.dev20260603
libtpu: 0.0.44.dev20260713+nightly
codegen_flags: <defaults>
</compile_context>

<pallas_src>
import functools

import jax
import jax.numpy as jnp
from jax import lax
from jax.experimental import pallas as pl
from jax.experimental.pallas import tpu as pltpu
from jax.experimental.pallas import tpu_sc as plsc

M_ROWS = 1000000
DIM = 64
BATCH = 16384
LR = 0.01

NC = 2
NS = 16
NW = NC * NS
NW_ACT = 25
ROWS_PER_W = M_ROWS // NW_ACT
BLOCK_ROWS = 8000
NBPT = ROWS_PER_W // BLOCK_ROWS
NB = M_ROWS // BLOCK_ROWS
IDX_PIECE = 2048
NPIECE = BATCH // IDX_PIECE
WAVE = 128
WIN = 512
CAP = BATCH + 1280
TOT = NW * CAP



def _sc_body(idx_hbm, val_hbm, starts_hbm, counts_hbm, rows_hbm, vs_hbm,
             ipiece, hidx, hpos, h2idx, h2pos, cvm, stage, cgat, rgat, vbuf,
             sem_g):
    wid = lax.axis_index("s") * NC + lax.axis_index("c")
    lo = jnp.where(wid < NW_ACT, wid * ROWS_PER_W, 1 << 28)
    hi = lo + ROWS_PER_W
    lanes = lax.iota(jnp.int32, 16)

    def piece_body(p, cnt):
        pltpu.sync_copy(idx_hbm.at[pl.ds(p * IDX_PIECE, IDX_PIECE)], ipiece)

        def scan_body(j, cnt):
            v = ipiece[pl.ds(j * 16, 16)]
            m = (v >= lo) & (v < hi)
            mi = m.astype(jnp.int32)
            dst = cnt + plsc.cumsum(mi) - mi
            plsc.store_scatter(hidx, [dst], v, mask=m)
            pos = p * IDX_PIECE + j * 16 + lanes
            plsc.store_scatter(hpos, [dst], pos, mask=m)
            return cnt + jnp.sum(mi)

        return lax.fori_loop(0, IDX_PIECE // 16, scan_body, cnt)

    cnt = lax.fori_loop(0, NPIECE, piece_body, jnp.int32(0))
    hidx[pl.ds(cnt, 16)] = jnp.full((16,), 1 << 30, jnp.int32)
    nj = cnt // 16 + 1

    k = jnp.int32(0)
    for b in range(NBPT):
        blo = lo + b * BLOCK_ROWS

        def part_body(j, k, blo=blo):
            v = hidx[pl.ds(j * 16, 16)]
            p = hpos[pl.ds(j * 16, 16)]
            m = (v >= blo) & (v < blo + BLOCK_ROWS)
            mi = m.astype(jnp.int32)
            dst = k + plsc.cumsum(mi) - mi
            plsc.store_scatter(h2idx, [dst], v, mask=m)
            plsc.store_scatter(h2pos, [dst], p, mask=m)
            return k + jnp.sum(mi)

        k = lax.fori_loop(0, nj, part_body, k)
        plsc.store_scatter(cvm, [jnp.full((16,), b, jnp.int32)],
                           jnp.full((16,), k, jnp.int32), mask=lanes == 0)
        for g in range(8):
            h2pos[pl.ds(k + g * 16, 16)] = jnp.zeros((16,), jnp.int32)
        k = (k + 127) // 128 * 128

    cum = cvm[pl.ds(0, 16)]
    prev = plsc.load_gather(cvm, [jnp.maximum(lanes - 1, 0)])
    prev = jnp.where(lanes == 0, 0, prev)
    prev = (prev + 127) // 128 * 128
    stage[pl.ds(0, 16)] = wid * CAP + prev
    stage[pl.ds(16, 16)] = cum - prev
    pltpu.sync_copy(stage.at[pl.ds(0, 16)], starts_hbm.at[pl.ds(wid * 16, 16)])
    pltpu.sync_copy(stage.at[pl.ds(16, 16)], counts_hbm.at[pl.ds(wid * 16, 16)])

    kfin = k

    def wave_body(wi, _):
        w0 = wi * WAVE
        for g in range(WAVE // 16):
            off = w0 + g * 16
            rgat[pl.ds(g * 16, 16)] = h2idx[pl.ds(off, 16)]
            cgat[pl.ds(g * 16, 16)] = h2pos[pl.ds(off, 16)]
        pltpu.async_copy(val_hbm.at[cgat], vbuf, sem_g).wait()
        pltpu.sync_copy(rgat, rows_hbm.at[pl.ds(wid * CAP + w0, WAVE)])
        pltpu.sync_copy(vbuf, vs_hbm.at[pl.ds(wid * CAP + w0, WAVE)])
        return 0

    lax.fori_loop(0, kfin // WAVE, wave_body, 0)


@jax.jit
def _sc_stage(idx32, val):
    mesh = plsc.VectorSubcoreMesh(core_axis_name="c", subcore_axis_name="s")
    f = functools.partial(
        pl.kernel,
        out_type=(
            jax.ShapeDtypeStruct((NW * 16,), jnp.int32),
            jax.ShapeDtypeStruct((NW * 16,), jnp.int32),
            jax.ShapeDtypeStruct((TOT,), jnp.int32),
            jax.ShapeDtypeStruct((TOT, DIM), jnp.float32),
        ),
        mesh=mesh,
        compiler_params=pltpu.CompilerParams(
            needs_layout_passes=False, use_tc_tiling_on_sc=False),
        scratch_types=[
            pltpu.VMEM((IDX_PIECE,), jnp.int32),
            pltpu.VMEM((BATCH + 32,), jnp.int32),
            pltpu.VMEM((BATCH + 32,), jnp.int32),
            pltpu.VMEM((BATCH + 1280 + 32,), jnp.int32),
            pltpu.VMEM((BATCH + 1280 + 32,), jnp.int32),
            pltpu.VMEM((16,), jnp.int32),
            pltpu.VMEM((32,), jnp.int32),
            pltpu.VMEM((WAVE,), jnp.int32),
            pltpu.VMEM((WAVE,), jnp.int32),
            pltpu.VMEM((WAVE, DIM), jnp.float32),
            pltpu.SemaphoreType.DMA,
        ],
    )(_sc_body)
    return f(idx32, val)



def _tc_body(starts_sm, counts_sm, mem_ref, rows_hbm, vs_hbm, out_ref,
             rwin, vwin, sem_r, sem_v):
    b = pl.program_id(0)
    ent = (b // NBPT) * 16 + (b % NBPT)
    start = pl.multiple_of(starts_sm[ent], 128)
    n = counts_sm[ent]
    base = b * BLOCK_ROWS

    def mk(done):
        cr = pltpu.make_async_copy(rows_hbm.at[pl.ds(start + done, WIN)],
                                   rwin, sem_r)
        cv = pltpu.make_async_copy(vs_hbm.at[pl.ds(start + done, WIN)],
                                   vwin, sem_v)
        return cr, cv

    def patch_span(done):
        nw = jnp.minimum(WIN, n - done)

        def patch(i, _):
            r = rwin[i] - base
            out_ref[0, pl.ds(r, 1), :] = (out_ref[0, pl.ds(r, 1), :]
                                          - LR * vwin[pl.ds(i, 1), :])
            return 0

        lax.fori_loop(0, nw, patch, 0)

    cr, cv = mk(0)
    cr.start()
    cv.start()
    out_ref[...] = mem_ref[...]
    cr.wait()
    cv.wait()
    patch_span(0)

    def win_body(wi, _):
        done = wi * WIN
        cr, cv = mk(done)
        cr.start()
        cv.start()
        cr.wait()
        cv.wait()
        patch_span(done)
        return 0

    lax.fori_loop(1, (n + WIN - 1) // WIN, win_body, 0)


@jax.jit
def _tc_apply(starts, counts, mem, rows_sorted, val_sorted):
    grid_spec = pltpu.PrefetchScalarGridSpec(
        num_scalar_prefetch=2,
        grid=(NB,),
        in_specs=[
            pl.BlockSpec((1, BLOCK_ROWS, DIM), lambda b, s, c: (b, 0, 0)),
            pl.BlockSpec(memory_space=pl.ANY),
            pl.BlockSpec(memory_space=pl.ANY),
        ],
        out_specs=pl.BlockSpec((1, BLOCK_ROWS, DIM),
                               lambda b, s, c: (b, 0, 0)),
        scratch_shapes=[
            pltpu.SMEM((WIN,), jnp.int32),
            pltpu.VMEM((WIN, DIM), jnp.float32),
            pltpu.SemaphoreType.DMA,
            pltpu.SemaphoreType.DMA,
        ],
    )
    out = pl.pallas_call(
        _tc_body,
        grid_spec=grid_spec,
        out_shape=jax.ShapeDtypeStruct((NB, BLOCK_ROWS, DIM), jnp.float32),
        compiler_params=pltpu.CompilerParams(
            dimension_semantics=("arbitrary",)),
    )(starts, counts, mem.reshape(NB, BLOCK_ROWS, DIM),
      rows_sorted, val_sorted)
    return out.reshape(M_ROWS, DIM)


def kernel(mem, idx, val):
    idx32 = idx.astype(jnp.int32)
    starts, counts, rows_sorted, val_sorted = _sc_stage(idx32, val)
    return _tc_apply(starts, counts, mem, rows_sorted, val_sorted)

# --- scband reference (transcript-rebuilt; emitter-appended) ---
"""Pipeline reference for scband-pop-server-24378234372555 (READ-ONLY COPY).

The authoritative reference and input builder live on the scoring server;
editing this copy changes nothing except your own understanding.
"""

import jax, jax.numpy as jnp
import numpy as np

M_ITEM = 1000000
DIM = 64
BATCH = 16384
LR = 0.01


def setup_inputs(seed: int = 0) -> dict:
    key = jax.random.key(seed)
    k1, k2, k3 = jax.random.split(key, 3)
    mem = jax.random.normal(k1, (M_ITEM, DIM), dtype=jnp.float32) * 0.01
    idx = jax.random.randint(k2, (BATCH,), 0, M_ITEM, dtype=jnp.int64)
    val = jax.random.normal(k3, (BATCH, DIM), dtype=jnp.float32)
    return {"mem": mem, "idx": idx, "val": val}


def reference(mem, idx, val):
    # Faithful distillation of PopServer.train_'s core server-side aggregation:
    #   batch_items_emb_grad = zeros_like(items_emb); batch_items_emb_grad[items] += items_emb_grad
    #   self.items_emb.weight.data.add_(batch_items_emb_grad, alpha=-lr)
    # i.e. scatter-add client item-embedding gradients into a dense accumulator,
    # then apply an SGD step to the embedding memory.
    batch_items_emb_grad = jnp.zeros_like(mem).at[idx].add(val)
    new_mem = mem - LR * batch_items_emb_grad
    return new_mem

if __name__ == "__main__":
    import jax
    _d = setup_inputs()
    print(jax.jit(kernel)(*tuple(_d.values())))

</pallas_src>

<mosaic_0001>
#map = affine_map<(d0, d1) -> (0)>
#map1 = affine_map<(d0, d1) -> (0, 0)>
module attributes {stable_mosaic.version = 14 : i64} {
  func.func @_sc_body(%arg0: i32, %arg1: i32, %arg2: memref<16384xi32, #tpu.memory_space<hbm>>, %arg3: memref<16384x64xf32, #tpu.memory_space<hbm>>, %arg4: memref<512xi32, #tpu.memory_space<hbm>>, %arg5: memref<512xi32, #tpu.memory_space<hbm>>, %arg6: memref<565248xi32, #tpu.memory_space<hbm>>, %arg7: memref<565248x64xf32, #tpu.memory_space<hbm>>, %arg8: memref<2048xi32, #tpu.memory_space<vmem>>, %arg9: memref<16416xi32, #tpu.memory_space<vmem>>, %arg10: memref<16416xi32, #tpu.memory_space<vmem>>, %arg11: memref<17696xi32, #tpu.memory_space<vmem>>, %arg12: memref<17696xi32, #tpu.memory_space<vmem>>, %arg13: memref<16xi32, #tpu.memory_space<vmem>>, %arg14: memref<32xi32, #tpu.memory_space<vmem>>, %arg15: memref<128xi32, #tpu.memory_space<vmem>>, %arg16: memref<128xi32, #tpu.memory_space<vmem>>, %arg17: memref<128x64xf32, #tpu.memory_space<vmem>>, %arg18: memref<!tpu.dma_semaphore, #tpu.memory_space<semaphore_mem>>) attributes {dimension_semantics = [#tpu.dimension_semantics<core_parallel>, #tpu.dimension_semantics<subcore_parallel>], iteration_bounds = array<i64: 2, 16>, scalar_prefetch = 0 : i64, scratch_operands = 11 : i64, tpu.core_type = #tpu.core_type<sc_vector_subcore>, window_params = [{transform_indices = #map}, {transform_indices = #map1}, {transform_indices = #map}, {transform_indices = #map}, {transform_indices = #map}, {transform_indices = #map1}]} {
    %mul3A = arith.constant 2 : i32
    %mul3A_0 = arith.muli %arg1, %mul3A : i32
    %add3A = arith.addi %mul3A_0, %arg0 : i32
    %lt3A = arith.constant 25 : i32
    %lt3A_1 = arith.cmpi slt, %add3A, %lt3A : i32
    %mul3A_2 = arith.constant 40000 : i32
    %mul3A_3 = arith.muli %add3A, %mul3A_2 : i32
    %jit3A = arith.constant 268435456 : i32
    %select_n3A = arith.select %lt3A_1, %mul3A_3, %jit3A : i32
    %add3A_4 = arith.constant 40000 : i32
    %add3A_5 = arith.addi %select_n3A, %add3A_4 : i32
    %iota3A = tpu.iota {dimensions = array<i32: 0>} : vector<16xi32>
    %scan3A = arith.constant 0 : i32
    %scan3A_6 = arith.constant 0 : i32
    %scan3A_7 = arith.constant 8 : i32
    %scan3A_8 = arith.addi %scan3A_6, %scan3A_7 : i32
    %scan3A_9 = arith.constant 1 : i32
    %scan3A_10 = scf.for %scan3A_606 = %scan3A_6 to %scan3A_8 step %scan3A_9 iter_args(%scan3A_607 = %scan3A) -> (i32)  : i32 {
      %mul3A_608 = arith.constant 2048 : i32
      %mul3A_609 = arith.muli %scan3A_606, %mul3A_608 : i32
      "tpu.region"() ({
        %run_scoped3A = tpu.sem_alloc : memref<!tpu.dma_semaphore, #tpu.memory_space<semaphore_mem>>
        %dma_start3A = tpu.memref_slice %arg2[%mul3A_609] : memref<16384xi32, #tpu.memory_space<hbm>> -> memref<2048xi32, #tpu.memory_space<hbm>>
        %dma_start3A_616 = tpu.memref_slice %arg2[%mul3A_609] : memref<16384xi32, #tpu.memory_space<hbm>> -> memref<2048xi32, #tpu.memory_space<hbm>>
        tpu.enqueue_dma source(%dma_start3A_616 : memref<2048xi32, #tpu.memory_space<hbm>>) target(%arg8 : memref<2048xi32, #tpu.memory_space<vmem>>) target_semaphore(%run_scoped3A : memref<!tpu.dma_semaphore, #tpu.memory_space<semaphore_mem>>)
        %dma_wait3A = tpu.memref_slice %arg2[%mul3A_609] : memref<16384xi32, #tpu.memory_space<hbm>> -> memref<2048xi32, #tpu.memory_space<hbm>>
        %dma_wait3A_617 = tpu.memref_slice %arg2[%mul3A_609] : memref<16384xi32, #tpu.memory_space<hbm>> -> memref<2048xi32, #tpu.memory_space<hbm>>
        tpu.wait_dma2 semaphore(%run_scoped3A : memref<!tpu.dma_semaphore, #tpu.memory_space<semaphore_mem>>) src(%dma_wait3A_617 : memref<2048xi32, #tpu.memory_space<hbm>>) dst(%arg8 : memref<2048xi32, #tpu.memory_space<vmem>>)
        tpu.yield
      }) : () -> ()
      %scan3A_610 = arith.constant 0 : i32
      %scan3A_611 = arith.constant 128 : i32
      %scan3A_612 = arith.addi %scan3A_610, %scan3A_611 : i32
      %scan3A_613 = arith.constant 1 : i32
      %scan3A_614 = scf.for %scan3A_616 = %scan3A_610 to %scan3A_612 step %scan3A_613 iter_args(%scan3A_617 = %scan3A_607) -> (i32)  : i32 {
        %mul3A_618 = arith.constant 16 : i32
        %mul3A_619 = arith.muli %scan3A_616, %mul3A_618 : i32
        %get3A_620 = arith.index_cast %mul3A_619 : i32 to index
        %get3A_621 = tpu.vector_load %arg8[%get3A_620] {strides = array<i32>} : memref<2048xi32, #tpu.memory_space<vmem>>, vector<16xi32>,
        %ge3A = vector.broadcast %select_n3A : i32 to vector<16xi32>
        %ge3A_622 = arith.cmpi sge, %get3A_621, %ge3A : vector<16xi32>
        %lt3A_623 = vector.broadcast %add3A_5 : i32 to vector<16xi32>
        %lt3A_624 = arith.cmpi slt, %get3A_621, %lt3A_623 : vector<16xi32>
        %and3A_625 = arith.andi %ge3A_622, %lt3A_624 : vector<16xi1>
        %convert_element_type3A = arith.extui %and3A_625 : vector<16xi1> to vector<16xi32>
        %broadcast_in_dim3A_626 = arith.constant true
        %broadcast_in_dim3A_627 = vector.broadcast %broadcast_in_dim3A_626 : i1 to vector<16xi1>
        %masked_cumsum3A = tpu.scan <sum>, %convert_element_type3A masked %broadcast_in_dim3A_627 : vector<16xi32>, vector<16xi1> -> vector<16xi32>
        %add3A_628 = vector.broadcast %scan3A_617 : i32 to vector<16xi32>
        %add3A_629 = arith.addi %add3A_628, %masked_cumsum3A : vector<16xi32>
        %sub3A_630 = arith.subi %add3A_629, %convert_element_type3A : vector<16xi32>
        tpu.vector_store_idx %arg9[%sub3A_630], %get3A_621 masked %and3A_625 : memref<16416xi32, #tpu.memory_space<vmem>>[vector<16xi32>], vector<16xi32>, vector<16xi1>
        %mul3A_631 = arith.constant 2048 : i32
        %mul3A_632 = arith.muli %scan3A_606, %mul3A_631 : i32
        %mul3A_633 = arith.constant 16 : i32
        %mul3A_634 = arith.muli %scan3A_616, %mul3A_633 : i32
        %add3A_635 = arith.addi %mul3A_632, %mul3A_634 : i32
        %add3A_636 = vector.broadcast %add3A_635 : i32 to vector<16xi32>
        %add3A_637 = arith.addi %add3A_636, %iota3A : vector<16xi32>
        tpu.vector_store_idx %arg10[%sub3A_630], %add3A_637 masked %and3A_625 : memref<16416xi32, #tpu.memory_space<vmem>>[vector<16xi32>], vector<16xi32>, vector<16xi1>
        %reduce_sum3A = arith.constant true
        %reduce_sum3A_638 = vector.broadcast %reduce_sum3A : i1 to vector<16xi1>
        %reduce_sum3A_639 = tpu.scan <sum>, %convert_element_type3A masked %reduce_sum3A_638 : vector<16xi32>, vector<16xi1> -> vector<16xi32>
        %reduce_sum3A_640 = vector.extract %reduce_sum3A_639[15] : i32 from vector<16xi32>
        %add3A_641 = arith.addi %scan3A_617, %reduce_sum3A_640 : i32
        scf.yield %add3A_641 : i32
      }
      %scan3A_615 = arith.constant 128 : i32
      scf.yield %scan3A_614 : i32
    }
    %scan3A_11 = arith.constant 8 : i32
    %broadcast_in_dim3A = arith.constant 1073741824 : i32
    %broadcast_in_dim3A_12 = vector.broadcast %broadcast_in_dim3A : i32 to vector<16xi32>
    %swap3A = arith.index_cast %scan3A_10 : i32 to index
    %swap3A_13 = tpu.vector_load %arg9[%swap3A] {strides = array<i32>} : memref<16416xi32, #tpu.memory_space<vmem>>, vector<16xi32>,
    tpu.vector_store %arg9[%swap3A], %broadcast_in_dim3A_12 {strides = array<i32>} : memref<16416xi32, #tpu.memory_space<vmem>>, vector<16xi32>,
    %jit3A_14 = arith.constant 16 : i32
    %div3A = arith.divsi %scan3A_10, %jit3A_14 : i32
    %sign3A = arith.constant 0 : i32
    %sign3A_15 = arith.cmpi sgt, %scan3A_10, %sign3A : i32
    %sign3A_16 = arith.extui %sign3A_15 : i1 to i32
    %sign3A_17 = arith.constant 0 : i32
    %sign3A_18 = arith.cmpi slt, %scan3A_10, %sign3A_17 : i32
    %sign3A_19 = arith.extui %sign3A_18 : i1 to i32
    %sign3A_20 = arith.subi %sign3A_16, %sign3A_19 : i32
    %sign3A_21 = arith.constant 0 : i32
    %sign3A_22 = arith.cmpi sgt, %jit3A_14, %sign3A_21 : i32
    %sign3A_23 = arith.extui %sign3A_22 : i1 to i32
    %sign3A_24 = arith.constant 0 : i32
    %sign3A_25 = arith.cmpi slt, %jit3A_14, %sign3A_24 : i32
    %sign3A_26 = arith.extui %sign3A_25 : i1 to i32
    %sign3A_27 = arith.subi %sign3A_23, %sign3A_26 : i32
    %ne3A = arith.cmpi ne, %sign3A_20, %sign3A_27 : i32
    %rem3A = arith.remsi %scan3A_10, %jit3A_14 : i32
    %ne3A_28 = arith.constant 0 : i32
    %ne3A_29 = arith.cmpi ne, %rem3A, %ne3A_28 : i32
    %and3A = arith.andi %ne3A, %ne3A_29 : i1
    %sub3A = arith.constant 1 : i32
    %sub3A_30 = arith.subi %div3A, %sub3A : i32
    %select_n3A_31 = arith.select %and3A, %sub3A_30, %div3A : i32
    %add3A_32 = arith.constant 1 : i32
    %add3A_33 = arith.addi %select_n3A_31, %add3A_32 : i32
    %add3A_34 = arith.constant 0 : i32
    %add3A_35 = arith.addi %select_n3A, %add3A_34 : i32
    %while3A = arith.constant 0 : i32
    %while3A_36 = arith.constant 0 : i32
    %while3A_37 = arith.subi %add3A_33, %while3A : i32
    %while3A_38 = arith.addi %while3A, %while3A_37 : i32
    %while3A_39 = arith.constant 1 : i32
    %while3A_40 = arith.divsi %while3A_37, %while3A_39 : i32
    %while3A_41 = arith.muli %while3A_40, %while3A_39 : i32
    %while3A_42 = arith.addi %while3A, %while3A_41 : i32
    %while3A_43 = arith.constant 1 : i32
    %while3A_44 = scf.for %while3A_606 = %while3A to %while3A_42 step %while3A_43 iter_args(%while3A_607 = %while3A_36) -> (i32)  : i32 {
      %mul3A_608 = arith.constant 16 : i32
      %mul3A_609 = arith.muli %while3A_606, %mul3A_608 : i32
      %get3A_610 = arith.index_cast %mul3A_609 : i32 to index
      %get3A_611 = tpu.vector_load %arg9[%get3A_610] {strides = array<i32>} : memref<16416xi32, #tpu.memory_space<vmem>>, vector<16xi32>,
      %mul3A_612 = arith.constant 16 : i32
      %mul3A_613 = arith.muli %while3A_606, %mul3A_612 : i32
      %get3A_614 = arith.index_cast %mul3A_613 : i32 to index
      %get3A_615 = tpu.vector_load %arg10[%get3A_614] {strides = array<i32>} : memref<16416xi32, #tpu.memory_space<vmem>>, vector<16xi32>,
      %ge3A = vector.broadcast %add3A_35 : i32 to vector<16xi32>
      %ge3A_616 = arith.cmpi sge, %get3A_611, %ge3A : vector<16xi32>
      %add3A_617 = arith.constant 8000 : i32
      %add3A_618 = arith.addi %add3A_35, %add3A_617 : i32
      %lt3A_619 = vector.broadcast %add3A_618 : i32 to vector<16xi32>
      %lt3A_620 = arith.cmpi slt, %get3A_611, %lt3A_619 : vector<16xi32>
      %and3A_621 = arith.andi %ge3A_616, %lt3A_620 : vector<16xi1>
      %convert_element_type3A = arith.extui %and3A_621 : vector<16xi1> to vector<16xi32>
      %broadcast_in_dim3A_622 = arith.constant true
      %broadcast_in_dim3A_623 = vector.broadcast %broadcast_in_dim3A_622 : i1 to vector<16xi1>
      %masked_cumsum3A = tpu.scan <sum>, %convert_element_type3A masked %broadcast_in_dim3A_623 : vector<16xi32>, vector<16xi1> -> vector<16xi32>
      %add3A_624 = vector.broadcast %while3A_607 : i32 to vector<16xi32>
      %add3A_625 = arith.addi %add3A_624, %masked_cumsum3A : vector<16xi32>
      %sub3A_626 = arith.subi %add3A_625, %convert_element_type3A : vector<16xi32>
      tpu.vector_store_idx %arg11[%sub3A_626], %get3A_611 masked %and3A_621 : memref<17696xi32, #tpu.memory_space<vmem>>[vector<16xi32>], vector<16xi32>, vector<16xi1>
      tpu.vector_store_idx %arg12[%sub3A_626], %get3A_615 masked %and3A_621 : memref<17696xi32, #tpu.memory_space<vmem>>[vector<16xi32>], vector<16xi32>, vector<16xi1>
      %reduce_sum3A = arith.constant true
      %reduce_sum3A_627 = vector.broadcast %reduce_sum3A : i1 to vector<16xi1>
      %reduce_sum3A_628 = tpu.scan <sum>, %convert_element_type3A masked %reduce_sum3A_627 : vector<16xi32>, vector<16xi1> -> vector<16xi32>
      %reduce_sum3A_629 = vector.extract %reduce_sum3A_628[15] : i32 from vector<16xi32>
      %add3A_630 = arith.addi %while3A_607, %reduce_sum3A_629 : i32
      scf.yield %add3A_630 : i32
    }
    %while3A_45 = arith.constant 1 : i32
    %while3A_46 = scf.for %while3A_606 = %while3A_42 to %while3A_38 step %while3A_45 iter_args(%while3A_607 = %while3A_44) -> (i32)  : i32 {
      %mul3A_608 = arith.constant 16 : i32
      %mul3A_609 = arith.muli %while3A_606, %mul3A_608 : i32
      %get3A_610 = arith.index_cast %mul3A_609 : i32 to index
      %get3A_611 = tpu.vector_load %arg9[%get3A_610] {strides = array<i32>} : memref<16416xi32, #tpu.memory_space<vmem>>, vector<16xi32>,
      %mul3A_612 = arith.constant 16 : i32
      %mul3A_613 = arith.muli %while3A_606, %mul3A_612 : i32
      %get3A_614 = arith.index_cast %mul3A_613 : i32 to index
      %get3A_615 = tpu.vector_load %arg10[%get3A_614] {strides = array<i32>} : memref<16416xi32, #tpu.memory_space<vmem>>, vector<16xi32>,
      %ge3A = vector.broadcast %add3A_35 : i32 to vector<16xi32>
      %ge3A_616 = arith.cmpi sge, %get3A_611, %ge3A : vector<16xi32>
      %add3A_617 = arith.constant 8000 : i32
      %add3A_618 = arith.addi %add3A_35, %add3A_617 : i32
      %lt3A_619 = vector.broadcast %add3A_618 : i32 to vector<16xi32>
      %lt3A_620 = arith.cmpi slt, %get3A_611, %lt3A_619 : vector<16xi32>
      %and3A_621 = arith.andi %ge3A_616, %lt3A_620 : vector<16xi1>
      %convert_element_type3A = arith.extui %and3A_621 : vector<16xi1> to vector<16xi32>
      %broadcast_in_dim3A_622 = arith.constant true
      %broadcast_in_dim3A_623 = vector.broadcast %broadcast_in_dim3A_622 : i1 to vector<16xi1>
      %masked_cumsum3A = tpu.scan <sum>, %convert_element_type3A masked %broadcast_in_dim3A_623 : vector<16xi32>, vector<16xi1> -> vector<16xi32>
      %add3A_624 = vector.broadcast %while3A_607 : i32 to vector<16xi32>
      %add3A_625 = arith.addi %add3A_624, %masked_cumsum3A : vector<16xi32>
      %sub3A_626 = arith.subi %add3A_625, %convert_element_type3A : vector<16xi32>
      tpu.vector_store_idx %arg11[%sub3A_626], %get3A_611 masked %and3A_621 : memref<17696xi32, #tpu.memory_space<vmem>>[vector<16xi32>], vector<16xi32>, vector<16xi1>
      tpu.vector_store_idx %arg12[%sub3A_626], %get3A_615 masked %and3A_621 : memref<17696xi32, #tpu.memory_space<vmem>>[vector<16xi32>], vector<16xi32>, vector<16xi1>
      %reduce_sum3A = arith.constant true
      %reduce_sum3A_627 = vector.broadcast %reduce_sum3A : i1 to vector<16xi1>
      %reduce_sum3A_628 = tpu.scan <sum>, %convert_element_type3A masked %reduce_sum3A_627 : vector<16xi32>, vector<16xi1> -> vector<16xi32>
      %reduce_sum3A_629 = vector.extract %reduce_sum3A_628[15] : i32 from vector<16xi32>
      %add3A_630 = arith.addi %while3A_607, %reduce_sum3A_629 : i32
      scf.yield %add3A_630 : i32
    }
    %broadcast_in_dim3A_47 = arith.constant 0 : i32
    %broadcast_in_dim3A_48 = vector.broadcast %broadcast_in_dim3A_47 : i32 to vector<16xi32>
    %broadcast_in_dim3A_49 = vector.broadcast %while3A_46 : i32 to vector<16xi32>
    %eq3A = arith.constant 0 : i32
    %eq3A_50 = vector.broadcast %eq3A : i32 to vector<16xi32>
    %eq3A_51 = arith.cmpi eq, %iota3A, %eq3A_50 : vector<16xi32>
    tpu.vector_store_idx %arg13[%broadcast_in_dim3A_48], %broadcast_in_dim3A_49 masked %eq3A_51 : memref<16xi32, #tpu.memory_space<vmem>>[vector<16xi32>], vector<16xi32>, vector<16xi1>
    %broadcast_in_dim3A_52 = arith.constant 0 : i32
    %broadcast_in_dim3A_53 = vector.broadcast %broadcast_in_dim3A_52 : i32 to vector<16xi32>
    %add3A_54 = arith.constant 0 : i32
    %add3A_55 = arith.addi %while3A_46, %add3A_54 : i32
    %swap3A_56 = arith.index_cast %add3A_55 : i32 to index
    %swap3A_57 = tpu.vector_load %arg12[%swap3A_56] {strides = array<i32>} : memref<17696xi32, #tpu.memory_space<vmem>>, vector<16xi32>,
    tpu.vector_store %arg12[%swap3A_56], %broadcast_in_dim3A_53 {strides = array<i32>} : memref<17696xi32, #tpu.memory_space<vmem>>, vector<16xi32>,
    %broadcast_in_dim3A_58 = arith.constant 0 : i32
    %broadcast_in_dim3A_59 = vector.broadcast %broadcast_in_dim3A_58 : i32 to vector<16xi32>
    %add3A_60 = arith.constant 16 : i32
    %add3A_61 = arith.addi %while3A_46, %add3A_60 : i32
    %swap3A_62 = arith.index_cast %add3A_61 : i32 to index
    %swap3A_63 = tpu.vector_load %arg12[%swap3A_62] {strides = array<i32>} : memref<17696xi32, #tpu.memory_space<vmem>>, vector<16xi32>,
    tpu.vector_store %arg12[%swap3A_62], %broadcast_in_dim3A_59 {strides = array<i32>} : memref<17696xi32, #tpu.memory_space<vmem>>, vector<16xi32>,
    %broadcast_in_dim3A_64 = arith.constant 0 : i32
    %broadcast_in_dim3A_65 = vector.broadcast %broadcast_in_dim3A_64 : i32 to vector<16xi32>
    %add3A_66 = arith.constant 32 : i32
    %add3A_67 = arith.addi %while3A_46, %add3A_66 : i32
    %swap3A_68 = arith.index_cast %add3A_67 : i32 to index
    %swap3A_69 = tpu.vector_load %arg12[%swap3A_68] {strides = array<i32>} : memref<17696xi32, #tpu.memory_space<vmem>>, vector<16xi32>,
    tpu.vector_store %arg12[%swap3A_68], %broadcast_in_dim3A_65 {strides = array<i32>} : memref<17696xi32, #tpu.memory_space<vmem>>, vector<16xi32>,
    %broadcast_in_dim3A_70 = arith.constant 0 : i32
    %broadcast_in_dim3A_71 = vector.broadcast %broadcast_in_dim3A_70 : i32 to vector<16xi32>
    %add3A_72 = arith.constant 48 : i32
    %add3A_73 = arith.addi %while3A_46, %add3A_72 : i32
    %swap3A_74 = arith.index_cast %add3A_73 : i32 to index
    %swap3A_75 = tpu.vector_load %arg12[%swap3A_74] {strides = array<i32>} : memref<17696xi32, #tpu.memory_space<vmem>>, vector<16xi32>,
    tpu.vector_store %arg12[%swap3A_74], %broadcast_in_dim3A_71 {strides = array<i32>} : memref<17696xi32, #tpu.memory_space<vmem>>, vector<16xi32>,
    %broadcast_in_dim3A_76 = arith.constant 0 : i32
    %broadcast_in_dim3A_77 = vector.broadcast %broadcast_in_dim3A_76 : i32 to vector<16xi32>
    %add3A_78 = arith.constant 64 : i32
    %add3A_79 = arith.addi %while3A_46, %add3A_78 : i32
    %swap3A_80 = arith.index_cast %add3A_79 : i32 to index
    %swap3A_81 = tpu.vector_load %arg12[%swap3A_80] {strides = array<i32>} : memref<17696xi32, #tpu.memory_space<vmem>>, vector<16xi32>,
    tpu.vector_store %arg12[%swap3A_80], %broadcast_in_dim3A_77 {strides = array<i32>} : memref<17696xi32, #tpu.memory_space<vmem>>, vector<16xi32>,
    %broadcast_in_dim3A_82 = arith.constant 0 : i32
    %broadcast_in_dim3A_83 = vector.broadcast %broadcast_in_dim3A_82 : i32 to vector<16xi32>
    %add3A_84 = arith.constant 80 : i32
    %add3A_85 = arith.addi %while3A_46, %add3A_84 : i32
    %swap3A_86 = arith.index_cast %add3A_85 : i32 to index
    %swap3A_87 = tpu.vector_load %arg12[%swap3A_86] {strides = array<i32>} : memref<17696xi32, #tpu.memory_space<vmem>>, vector<16xi32>,
    tpu.vector_store %arg12[%swap3A_86], %broadcast_in_dim3A_83 {strides = array<i32>} : memref<17696xi32, #tpu.memory_space<vmem>>, vector<16xi32>,
    %broadcast_in_dim3A_88 = arith.constant 0 : i32
    %broadcast_in_dim3A_89 = vector.broadcast %broadcast_in_dim3A_88 : i32 to vector<16xi32>
    %add3A_90 = arith.constant 96 : i32
    %add3A_91 = arith.addi %while3A_46, %add3A_90 : i32
    %swap3A_92 = arith.index_cast %add3A_91 : i32 to index
    %swap3A_93 = tpu.vector_load %arg12[%swap3A_92] {strides = array<i32>} : memref<17696xi32, #tpu.memory_space<vmem>>, vector<16xi32>,
    tpu.vector_store %arg12[%swap3A_92], %broadcast_in_dim3A_89 {strides = array<i32>} : memref<17696xi32, #tpu.memory_space<vmem>>, vector<16xi32>,
    %broadcast_in_dim3A_94 = arith.constant 0 : i32
    %broadcast_in_dim3A_95 = vector.broadcast %broadcast_in_dim3A_94 : i32 to vector<16xi32>
    %add3A_96 = arith.constant 112 : i32
    %add3A_97 = arith.addi %while3A_46, %add3A_96 : i32
    %swap3A_98 = arith.index_cast %add3A_97 : i32 to index
    %swap3A_99 = tpu.vector_load %arg12[%swap3A_98] {strides = array<i32>} : memref<17696xi32, #tpu.memory_space<vmem>>, vector<16xi32>,
    tpu.vector_store %arg12[%swap3A_98], %broadcast_in_dim3A_95 {strides = array<i32>} : memref<17696xi32, #tpu.memory_space<vmem>>, vector<16xi32>,
    %add3A_100 = arith.constant 127 : i32
    %add3A_101 = arith.addi %while3A_46, %add3A_100 : i32
    %jit3A_102 = arith.constant 128 : i32
    %div3A_103 = arith.divsi %add3A_101, %jit3A_102 : i32
    %sign3A_104 = arith.constant 0 : i32
    %sign3A_105 = arith.cmpi sgt, %add3A_101, %sign3A_104 : i32
    %sign3A_106 = arith.extui %sign3A_105 : i1 to i32
    %sign3A_107 = arith.constant 0 : i32
    %sign3A_108 = arith.cmpi slt, %add3A_101, %sign3A_107 : i32
    %sign3A_109 = arith.extui %sign3A_108 : i1 to i32
    %sign3A_110 = arith.subi %sign3A_106, %sign3A_109 : i32
    %sign3A_111 = arith.constant 0 : i32
    %sign3A_112 = arith.cmpi sgt, %jit3A_102, %sign3A_111 : i32
    %sign3A_113 = arith.extui %sign3A_112 : i1 to i32
    %sign3A_114 = arith.constant 0 : i32
    %sign3A_115 = arith.cmpi slt, %jit3A_102, %sign3A_114 : i32
    %sign3A_116 = arith.extui %sign3A_115 : i1 to i32
    %sign3A_117 = arith.subi %sign3A_113, %sign3A_116 : i32
    %ne3A_118 = arith.cmpi ne, %sign3A_110, %sign3A_117 : i32
    %rem3A_119 = arith.remsi %add3A_101, %jit3A_102 : i32
    %ne3A_120 = arith.constant 0 : i32
    %ne3A_121 = arith.cmpi ne, %rem3A_119, %ne3A_120 : i32
    %and3A_122 = arith.andi %ne3A_118, %ne3A_121 : i1
    %sub3A_123 = arith.constant 1 : i32
    %sub3A_124 = arith.subi %div3A_103, %sub3A_123 : i32
    %select_n3A_125 = arith.select %and3A_122, %sub3A_124, %div3A_103 : i32
    %mul3A_126 = arith.constant 128 : i32
    %mul3A_127 = arith.muli %select_n3A_125, %mul3A_126 : i32
    %add3A_128 = arith.constant 8000 : i32
    %add3A_129 = arith.addi %select_n3A, %add3A_128 : i32
    %while3A_130 = arith.constant 0 : i32
    %while3A_131 = arith.subi %add3A_33, %while3A_130 : i32
    %while3A_132 = arith.addi %while3A_130, %while3A_131 : i32
    %while3A_133 = arith.constant 1 : i32
    %while3A_134 = arith.divsi %while3A_131, %while3A_133 : i32
    %while3A_135 = arith.muli %while3A_134, %while3A_133 : i32
    %while3A_136 = arith.addi %while3A_130, %while3A_135 : i32
    %while3A_137 = arith.constant 1 : i32
    %while3A_138 = scf.for %while3A_606 = %while3A_130 to %while3A_136 step %while3A_137 iter_args(%while3A_607 = %mul3A_127) -> (i32)  : i32 {
      %mul3A_608 = arith.constant 16 : i32
      %mul3A_609 = arith.muli %while3A_606, %mul3A_608 : i32
      %get3A_610 = arith.index_cast %mul3A_609 : i32 to index
      %get3A_611 = tpu.vector_load %arg9[%get3A_610] {strides = array<i32>} : memref<16416xi32, #tpu.memory_space<vmem>>, vector<16xi32>,
      %mul3A_612 = arith.constant 16 : i32
      %mul3A_613 = arith.muli %while3A_606, %mul3A_612 : i32
      %get3A_614 = arith.index_cast %mul3A_613 : i32 to index
      %get3A_615 = tpu.vector_load %arg10[%get3A_614] {strides = array<i32>} : memref<16416xi32, #tpu.memory_space<vmem>>, vector<16xi32>,
      %ge3A = vector.broadcast %add3A_129 : i32 to vector<16xi32>
      %ge3A_616 = arith.cmpi sge, %get3A_611, %ge3A : vector<16xi32>
      %add3A_617 = arith.constant 8000 : i32
      %add3A_618 = arith.addi %add3A_129, %add3A_617 : i32
      %lt3A_619 = vector.broadcast %add3A_618 : i32 to vector<16xi32>
      %lt3A_620 = arith.cmpi slt, %get3A_611, %lt3A_619 : vector<16xi32>
      %and3A_621 = arith.andi %ge3A_616, %lt3A_620 : vector<16xi1>
      %convert_element_type3A = arith.extui %and3A_621 : vector<16xi1> to vector<16xi32>
      %broadcast_in_dim3A_622 = arith.constant true
      %broadcast_in_dim3A_623 = vector.broadcast %broadcast_in_dim3A_622 : i1 to vector<16xi1>
      %masked_cumsum3A = tpu.scan <sum>, %convert_element_type3A masked %broadcast_in_dim3A_623 : vector<16xi32>, vector<16xi1> -> vector<16xi32>
      %add3A_624 = vector.broadcast %while3A_607 : i32 to vector<16xi32>
      %add3A_625 = arith.addi %add3A_624, %masked_cumsum3A : vector<16xi32>
      %sub3A_626 = arith.subi %add3A_625, %convert_element_type3A : vector<16xi32>
      tpu.vector_store_idx %arg11[%sub3A_626], %get3A_611 masked %and3A_621 : memref<17696xi32, #tpu.memory_space<vmem>>[vector<16xi32>], vector<16xi32>, vector<16xi1>
      tpu.vector_store_idx %arg12[%sub3A_626], %get3A_615 masked %and3A_621 : memref<17696xi32, #tpu.memory_space<vmem>>[vector<16xi32>], vector<16xi32>, vector<16xi1>
      %reduce_sum3A = arith.constant true
      %reduce_sum3A_627 = vector.broadcast %reduce_sum3A : i1 to vector<16xi1>
      %reduce_sum3A_628 = tpu.scan <sum>, %convert_element_type3A masked %reduce_sum3A_627 : vector<16xi32>, vector<16xi1> -> vector<16xi32>
      %reduce_sum3A_629 = vector.extract %reduce_sum3A_628[15] : i32 from vector<16xi32>
      %add3A_630 = arith.addi %while3A_607, %reduce_sum3A_629 : i32
      scf.yield %add3A_630 : i32
    }
    %while3A_139 = arith.constant 1 : i32
    %while3A_140 = scf.for %while3A_606 = %while3A_136 to %while3A_132 step %while3A_139 iter_args(%while3A_607 = %while3A_138) -> (i32)  : i32 {
      %mul3A_608 = arith.constant 16 : i32
      %mul3A_609 = arith.muli %while3A_606, %mul3A_608 : i32
      %get3A_610 = arith.index_cast %mul3A_609 : i32 to index
      %get3A_611 = tpu.vector_load %arg9[%get3A_610] {strides = array<i32>} : memref<16416xi32, #tpu.memory_space<vmem>>, vector<16xi32>,
      %mul3A_612 = arith.constant 16 : i32
      %mul3A_613 = arith.muli %while3A_606, %mul3A_612 : i32
      %get3A_614 = arith.index_cast %mul3A_613 : i32 to index
      %get3A_615 = tpu.vector_load %arg10[%get3A_614] {strides = array<i32>} : memref<16416xi32, #tpu.memory_space<vmem>>, vector<16xi32>,
      %ge3A = vector.broadcast %add3A_129 : i32 to vector<16xi32>
      %ge3A_616 = arith.cmpi sge, %get3A_611, %ge3A : vector<16xi32>
      %add3A_617 = arith.constant 8000 : i32
      %add3A_618 = arith.addi %add3A_129, %add3A_617 : i32
      %lt3A_619 = vector.broadcast %add3A_618 : i32 to vector<16xi32>
      %lt3A_620 = arith.cmpi slt, %get3A_611, %lt3A_619 : vector<16xi32>
      %and3A_621 = arith.andi %ge3A_616, %lt3A_620 : vector<16xi1>
      %convert_element_type3A = arith.extui %and3A_621 : vector<16xi1> to vector<16xi32>
      %broadcast_in_dim3A_622 = arith.constant true
      %broadcast_in_dim3A_623 = vector.broadcast %broadcast_in_dim3A_622 : i1 to vector<16xi1>
      %masked_cumsum3A = tpu.scan <sum>, %convert_element_type3A masked %broadcast_in_dim3A_623 : vector<16xi32>, vector<16xi1> -> vector<16xi32>
      %add3A_624 = vector.broadcast %while3A_607 : i32 to vector<16xi32>
      %add3A_625 = arith.addi %add3A_624, %masked_cumsum3A : vector<16xi32>
      %sub3A_626 = arith.subi %add3A_625, %convert_element_type3A : vector<16xi32>
      tpu.vector_store_idx %arg11[%sub3A_626], %get3A_611 masked %and3A_621 : memref<17696xi32, #tpu.memory_space<vmem>>[vector<16xi32>], vector<16xi32>, vector<16xi1>
      tpu.vector_store_idx %arg12[%sub3A_626], %get3A_615 masked %and3A_621 : memref<17696xi32, #tpu.memory_space<vmem>>[vector<16xi32>], vector<16xi32>, vector<16xi1>
      %reduce_sum3A = arith.constant true
      %reduce_sum3A_627 = vector.broadcast %reduce_sum3A : i1 to vector<16xi1>
      %reduce_sum3A_628 = tpu.scan <sum>, %convert_element_type3A masked %reduce_sum3A_627 : vector<16xi32>, vector<16xi1> -> vector<16xi32>
      %reduce_sum3A_629 = vector.extract %reduce_sum3A_628[15] : i32 from vector<16xi32>
      %add3A_630 = arith.addi %while3A_607, %reduce_sum3A_629 : i32
      scf.yield %add3A_630 : i32
    }
    %broadcast_in_dim3A_141 = arith.constant 1 : i32
    %broadcast_in_dim3A_142 = vector.broadcast %broadcast_in_dim3A_141 : i32 to vector<16xi32>
    %broadcast_in_dim3A_143 = vector.broadcast %while3A_140 : i32 to vector<16xi32>
    %eq3A_144 = arith.constant 0 : i32
    %eq3A_145 = vector.broadcast %eq3A_144 : i32 to vector<16xi32>
    %eq3A_146 = arith.cmpi eq, %iota3A, %eq3A_145 : vector<16xi32>
    tpu.vector_store_idx %arg13[%broadcast_in_dim3A_142], %broadcast_in_dim3A_143 masked %eq3A_146 : memref<16xi32, #tpu.memory_space<vmem>>[vector<16xi32>], vector<16xi32>, vector<16xi1>
    %broadcast_in_dim3A_147 = arith.constant 0 : i32
    %broadcast_in_dim3A_148 = vector.broadcast %broadcast_in_dim3A_147 : i32 to vector<16xi32>
    %add3A_149 = arith.constant 0 : i32
    %add3A_150 = arith.addi %while3A_140, %add3A_149 : i32
    %swap3A_151 = arith.index_cast %add3A_150 : i32 to index
    %swap3A_152 = tpu.vector_load %arg12[%swap3A_151] {strides = array<i32>} : memref<17696xi32, #tpu.memory_space<vmem>>, vector<16xi32>,
    tpu.vector_store %arg12[%swap3A_151], %broadcast_in_dim3A_148 {strides = array<i32>} : memref<17696xi32, #tpu.memory_space<vmem>>, vector<16xi32>,
    %broadcast_in_dim3A_153 = arith.constant 0 : i32
    %broadcast_in_dim3A_154 = vector.broadcast %broadcast_in_dim3A_153 : i32 to vector<16xi32>
    %add3A_155 = arith.constant 16 : i32
    %add3A_156 = arith.addi %while3A_140, %add3A_155 : i32
    %swap3A_157 = arith.index_cast %add3A_156 : i32 to index
    %swap3A_158 = tpu.vector_load %arg12[%swap3A_157] {strides = array<i32>} : memref<17696xi32, #tpu.memory_space<vmem>>, vector<16xi32>,
    tpu.vector_store %arg12[%swap3A_157], %broadcast_in_dim3A_154 {strides = array<i32>} : memref<17696xi32, #tpu.memory_space<vmem>>, vector<16xi32>,
    %broadcast_in_dim3A_159 = arith.constant 0 : i32
    %broadcast_in_dim3A_160 = vector.broadcast %broadcast_in_dim3A_159 : i32 to vector<16xi32>
    %add3A_161 = arith.constant 32 : i32
    %add3A_162 = arith.addi %while3A_140, %add3A_161 : i32
    %swap3A_163 = arith.index_cast %add3A_162 : i32 to index
    %swap3A_164 = tpu.vector_load %arg12[%swap3A_163] {strides = array<i32>} : memref<17696xi32, #tpu.memory_space<vmem>>, vector<16xi32>,
    tpu.vector_store %arg12[%swap3A_163], %broadcast_in_dim3A_160 {strides = array<i32>} : memref<17696xi32, #tpu.memory_space<vmem>>, vector<16xi32>,
    %broadcast_in_dim3A_165 = arith.constant 0 : i32
    %broadcast_in_dim3A_166 = vector.broadcast %broadcast_in_dim3A_165 : i32 to vector<16xi32>
    %add3A_167 = arith.constant 48 : i32
    %add3A_168 = arith.addi %while3A_140, %add3A_167 : i32
    %swap3A_169 = arith.index_cast %add3A_168 : i32 to index
    %swap3A_170 = tpu.vector_load %arg12[%swap3A_169] {strides = array<i32>} : memref<17696xi32, #tpu.memory_space<vmem>>, vector<16xi32>,
    tpu.vector_store %arg12[%swap3A_169], %broadcast_in_dim3A_166 {strides = array<i32>} : memref<17696xi32, #tpu.memory_space<vmem>>, vector<16xi32>,
    %broadcast_in_dim3A_171 = arith.constant 0 : i32
    %broadcast_in_dim3A_172 = vector.broadcast %broadcast_in_dim3A_171 : i32 to vector<16xi32>
    %add3A_173 = arith.constant 64 : i32
    %add3A_174 = arith.addi %while3A_140, %add3A_173 : i32
    %swap3A_175 = arith.index_cast %add3A_174 : i32 to index
    %swap3A_176 = tpu.vector_load %arg12[%swap3A_175] {strides = array<i32>} : memref<17696xi32, #tpu.memory_space<vmem>>, vector<16xi32>,
    tpu.vector_store %arg12[%swap3A_175], %broadcast_in_dim3A_172 {strides = array<i32>} : memref<17696xi32, #tpu.memory_space<vmem>>, vector<16xi32>,
    %broadcast_in_dim3A_177 = arith.constant 0 : i32
    %broadcast_in_dim3A_178 = vector.broadcast %broadcast_in_dim3A_177 : i32 to vector<16xi32>
    %add3A_179 = arith.constant 80 : i32
    %add3A_180 = arith.addi %while3A_140, %add3A_179 : i32
    %swap3A_181 = arith.index_cast %add3A_180 : i32 to index
    %swap3A_182 = tpu.vector_load %arg12[%swap3A_181] {strides = array<i32>} : memref<17696xi32, #tpu.memory_space<vmem>>, vector<16xi32>,
    tpu.vector_store %arg12[%swap3A_181], %broadcast_in_dim3A_178 {strides = array<i32>} : memref<17696xi32, #tpu.memory_space<vmem>>, vector<16xi32>,
    %broadcast_in_dim3A_183 = arith.constant 0 : i32
    %broadcast_in_dim3A_184 = vector.broadcast %broadcast_in_dim3A_183 : i32 to vector<16xi32>
    %add3A_185 = arith.constant 96 : i32
    %add3A_186 = arith.addi %while3A_140, %add3A_185 : i32
    %swap3A_187 = arith.index_cast %add3A_186 : i32 to index
    %swap3A_188 = tpu.vector_load %arg12[%swap3A_187] {strides = array<i32>} : memref<17696xi32, #tpu.memory_space<vmem>>, vector<16xi32>,
    tpu.vector_store %arg12[%swap3A_187], %broadcast_in_dim3A_184 {strides = array<i32>} : memref<17696xi32, #tpu.memory_space<vmem>>, vector<16xi32>,
    %broadcast_in_dim3A_189 = arith.constant 0 : i32
    %broadcast_in_dim3A_190 = vector.broadcast %broadcast_in_dim3A_189 : i32 to vector<16xi32>
    %add3A_191 = arith.constant 112 : i32
    %add3A_192 = arith.addi %while3A_140, %add3A_191 : i32
    %swap3A_193 = arith.index_cast %add3A_192 : i32 to index
    %swap3A_194 = tpu.vector_load %arg12[%swap3A_193] {strides = array<i32>} : memref<17696xi32, #tpu.memory_space<vmem>>, vector<16xi32>,
    tpu.vector_store %arg12[%swap3A_193], %broadcast_in_dim3A_190 {strides = array<i32>} : memref<17696xi32, #tpu.memory_space<vmem>>, vector<16xi32>,
    %add3A_195 = arith.constant 127 : i32
    %add3A_196 = arith.addi %while3A_140, %add3A_195 : i32
    %jit3A_197 = arith.constant 128 : i32
    %div3A_198 = arith.divsi %add3A_196, %jit3A_197 : i32
    %sign3A_199 = arith.constant 0 : i32
    %sign3A_200 = arith.cmpi sgt, %add3A_196, %sign3A_199 : i32
    %sign3A_201 = arith.extui %sign3A_200 : i1 to i32
    %sign3A_202 = arith.constant 0 : i32
    %sign3A_203 = arith.cmpi slt, %add3A_196, %sign3A_202 : i32
    %sign3A_204 = arith.extui %sign3A_203 : i1 to i32
    %sign3A_205 = arith.subi %sign3A_201, %sign3A_204 : i32
    %sign3A_206 = arith.constant 0 : i32
    %sign3A_207 = arith.cmpi sgt, %jit3A_197, %sign3A_206 : i32
    %sign3A_208 = arith.extui %sign3A_207 : i1 to i32
    %sign3A_209 = arith.constant 0 : i32
    %sign3A_210 = arith.cmpi slt, %jit3A_197, %sign3A_209 : i32
    %sign3A_211 = arith.extui %sign3A_210 : i1 to i32
    %sign3A_212 = arith.subi %sign3A_208, %sign3A_211 : i32
    %ne3A_213 = arith.cmpi ne, %sign3A_205, %sign3A_212 : i32
    %rem3A_214 = arith.remsi %add3A_196, %jit3A_197 : i32
    %ne3A_215 = arith.constant 0 : i32
    %ne3A_216 = arith.cmpi ne, %rem3A_214, %ne3A_215 : i32
    %and3A_217 = arith.andi %ne3A_213, %ne3A_216 : i1
    %sub3A_218 = arith.constant 1 : i32
    %sub3A_219 = arith.subi %div3A_198, %sub3A_218 : i32
    %select_n3A_220 = arith.select %and3A_217, %sub3A_219, %div3A_198 : i32
    %mul3A_221 = arith.constant 128 : i32
    %mul3A_222 = arith.muli %select_n3A_220, %mul3A_221 : i32
    %add3A_223 = arith.constant 16000 : i32
    %add3A_224 = arith.addi %select_n3A, %add3A_223 : i32
    %while3A_225 = arith.constant 0 : i32
    %while3A_226 = arith.subi %add3A_33, %while3A_225 : i32
    %while3A_227 = arith.addi %while3A_225, %while3A_226 : i32
    %while3A_228 = arith.constant 1 : i32
    %while3A_229 = arith.divsi %while3A_226, %while3A_228 : i32
    %while3A_230 = arith.muli %while3A_229, %while3A_228 : i32
    %while3A_231 = arith.addi %while3A_225, %while3A_230 : i32
    %while3A_232 = arith.constant 1 : i32
    %while3A_233 = scf.for %while3A_606 = %while3A_225 to %while3A_231 step %while3A_232 iter_args(%while3A_607 = %mul3A_222) -> (i32)  : i32 {
      %mul3A_608 = arith.constant 16 : i32
      %mul3A_609 = arith.muli %while3A_606, %mul3A_608 : i32
      %get3A_610 = arith.index_cast %mul3A_609 : i32 to index
      %get3A_611 = tpu.vector_load %arg9[%get3A_610] {strides = array<i32>} : memref<16416xi32, #tpu.memory_space<vmem>>, vector<16xi32>,
      %mul3A_612 = arith.constant 16 : i32
      %mul3A_613 = arith.muli %while3A_606, %mul3A_612 : i32
      %get3A_614 = arith.index_cast %mul3A_613 : i32 to index
      %get3A_615 = tpu.vector_load %arg10[%get3A_614] {strides = array<i32>} : memref<16416xi32, #tpu.memory_space<vmem>>, vector<16xi32>,
      %ge3A = vector.broadcast %add3A_224 : i32 to vector<16xi32>
      %ge3A_616 = arith.cmpi sge, %get3A_611, %ge3A : vector<16xi32>
      %add3A_617 = arith.constant 8000 : i32
      %add3A_618 = arith.addi %add3A_224, %add3A_617 : i32
      %lt3A_619 = vector.broadcast %add3A_618 : i32 to vector<16xi32>
      %lt3A_620 = arith.cmpi slt, %get3A_611, %lt3A_619 : vector<16xi32>
      %and3A_621 = arith.andi %ge3A_616, %lt3A_620 : vector<16xi1>
      %convert_element_type3A = arith.extui %and3A_621 : vector<16xi1> to vector<16xi32>
      %broadcast_in_dim3A_622 = arith.constant true
      %broadcast_in_dim3A_623 = vector.broadcast %broadcast_in_dim3A_622 : i1 to vector<16xi1>
      %masked_cumsum3A = tpu.scan <sum>, %convert_element_type3A masked %broadcast_in_dim3A_623 : vector<16xi32>, vector<16xi1> -> vector<16xi32>
      %add3A_624 = vector.broadcast %while3A_607 : i32 to vector<16xi32>
      %add3A_625 = arith.addi %add3A_624, %masked_cumsum3A : vector<16xi32>
      %sub3A_626 = arith.subi %add3A_625, %convert_element_type3A : vector<16xi32>
      tpu.vector_store_idx %arg11[%sub3A_626], %get3A_611 masked %and3A_621 : memref<17696xi32, #tpu.memory_space<vmem>>[vector<16xi32>], vector<16xi32>, vector<16xi1>
      tpu.vector_store_idx %arg12[%sub3A_626], %get3A_615 masked %and3A_621 : memref<17696xi32, #tpu.memory_space<vmem>>[vector<16xi32>], vector<16xi32>, vector<16xi1>
      %reduce_sum3A = arith.constant true
      %reduce_sum3A_627 = vector.broadcast %reduce_sum3A : i1 to vector<16xi1>
      %reduce_sum3A_628 = tpu.scan <sum>, %convert_element_type3A masked %reduce_sum3A_627 : vector<16xi32>, vector<16xi1> -> vector<16xi32>
      %reduce_sum3A_629 = vector.extract %reduce_sum3A_628[15] : i32 from vector<16xi32>
      %add3A_630 = arith.addi %while3A_607, %reduce_sum3A_629 : i32
      scf.yield %add3A_630 : i32
    }
    %while3A_234 = arith.constant 1 : i32
    %while3A_235 = scf.for %while3A_606 = %while3A_231 to %while3A_227 step %while3A_234 iter_args(%while3A_607 = %while3A_233) -> (i32)  : i32 {
      %mul3A_608 = arith.constant 16 : i32
      %mul3A_609 = arith.muli %while3A_606, %mul3A_608 : i32
      %get3A_610 = arith.index_cast %mul3A_609 : i32 to index
      %get3A_611 = tpu.vector_load %arg9[%get3A_610] {strides = array<i32>} : memref<16416xi32, #tpu.memory_space<vmem>>, vector<16xi32>,
      %mul3A_612 = arith.constant 16 : i32
      %mul3A_613 = arith.muli %while3A_606, %mul3A_612 : i32
      %get3A_614 = arith.index_cast %mul3A_613 : i32 to index
      %get3A_615 = tpu.vector_load %arg10[%get3A_614] {strides = array<i32>} : memref<16416xi32, #tpu.memory_space<vmem>>, vector<16xi32>,
      %ge3A = vector.broadcast %add3A_224 : i32 to vector<16xi32>
      %ge3A_616 = arith.cmpi sge, %get3A_611, %ge3A : vector<16xi32>
      %add3A_617 = arith.constant 8000 : i32
      %add3A_618 = arith.addi %add3A_224, %add3A_617 : i32
      %lt3A_619 = vector.broadcast %add3A_618 : i32 to vector<16xi32>
      %lt3A_620 = arith.cmpi slt, %get3A_611, %lt3A_619 : vector<16xi32>
      %and3A_621 = arith.andi %ge3A_616, %lt3A_620 : vector<16xi1>
      %convert_element_type3A = arith.extui %and3A_621 : vector<16xi1> to vector<16xi32>
      %broadcast_in_dim3A_622 = arith.constant true
      %broadcast_in_dim3A_623 = vector.broadcast %broadcast_in_dim3A_622 : i1 to vector<16xi1>
      %masked_cumsum3A = tpu.scan <sum>, %convert_element_type3A masked %broadcast_in_dim3A_623 : vector<16xi32>, vector<16xi1> -> vector<16xi32>
      %add3A_624 = vector.broadcast %while3A_607 : i32 to vector<16xi32>
      %add3A_625 = arith.addi %add3A_624, %masked_cumsum3A : vector<16xi32>
      %sub3A_626 = arith.subi %add3A_625, %convert_element_type3A : vector<16xi32>
      tpu.vector_store_idx %arg11[%sub3A_626], %get3A_611 masked %and3A_621 : memref<17696xi32, #tpu.memory_space<vmem>>[vector<16xi32>], vector<16xi32>, vector<16xi1>
      tpu.vector_store_idx %arg12[%sub3A_626], %get3A_615 masked %and3A_621 : memref<17696xi32, #tpu.memory_space<vmem>>[vector<16xi32>], vector<16xi32>, vector<16xi1>
      %reduce_sum3A = arith.constant true
      %reduce_sum3A_627 = vector.broadcast %reduce_sum3A : i1 to vector<16xi1>
      %reduce_sum3A_628 = tpu.scan <sum>, %convert_element_type3A masked %reduce_sum3A_627 : vector<16xi32>, vector<16xi1> -> vector<16xi32>
      %reduce_sum3A_629 = vector.extract %reduce_sum3A_628[15] : i32 from vector<16xi32>
      %add3A_630 = arith.addi %while3A_607, %reduce_sum3A_629 : i32
      scf.yield %add3A_630 : i32
    }
    %broadcast_in_dim3A_236 = arith.constant 2 : i32
    %broadcast_in_dim3A_237 = vector.broadcast %broadcast_in_dim3A_236 : i32 to vector<16xi32>
    %broadcast_in_dim3A_238 = vector.broadcast %while3A_235 : i32 to vector<16xi32>
    %eq3A_239 = arith.constant 0 : i32
    %eq3A_240 = vector.broadcast %eq3A_239 : i32 to vector<16xi32>
    %eq3A_241 = arith.cmpi eq, %iota3A, %eq3A_240 : vector<16xi32>
    tpu.vector_store_idx %arg13[%broadcast_in_dim3A_237], %broadcast_in_dim3A_238 masked %eq3A_241 : memref<16xi32, #tpu.memory_space<vmem>>[vector<16xi32>], vector<16xi32>, vector<16xi1>
    %broadcast_in_dim3A_242 = arith.constant 0 : i32
    %broadcast_in_dim3A_243 = vector.broadcast %broadcast_in_dim3A_242 : i32 to vector<16xi32>
    %add3A_244 = arith.constant 0 : i32
    %add3A_245 = arith.addi %while3A_235, %add3A_244 : i32
    %swap3A_246 = arith.index_cast %add3A_245 : i32 to index
    %swap3A_247 = tpu.vector_load %arg12[%swap3A_246] {strides = array<i32>} : memref<17696xi32, #tpu.memory_space<vmem>>, vector<16xi32>,
    tpu.vector_store %arg12[%swap3A_246], %broadcast_in_dim3A_243 {strides = array<i32>} : memref<17696xi32, #tpu.memory_space<vmem>>, vector<16xi32>,
    %broadcast_in_dim3A_248 = arith.constant 0 : i32
    %broadcast_in_dim3A_249 = vector.broadcast %broadcast_in_dim3A_248 : i32 to vector<16xi32>
    %add3A_250 = arith.constant 16 : i32
    %add3A_251 = arith.addi %while3A_235, %add3A_250 : i32
    %swap3A_252 = arith.index_cast %add3A_251 : i32 to index
    %swap3A_253 = tpu.vector_load %arg12[%swap3A_252] {strides = array<i32>} : memref<17696xi32, #tpu.memory_space<vmem>>, vector<16xi32>,
    tpu.vector_store %arg12[%swap3A_252], %broadcast_in_dim3A_249 {strides = array<i32>} : memref<17696xi32, #tpu.memory_space<vmem>>, vector<16xi32>,
    %broadcast_in_dim3A_254 = arith.constant 0 : i32
    %broadcast_in_dim3A_255 = vector.broadcast %broadcast_in_dim3A_254 : i32 to vector<16xi32>
    %add3A_256 = arith.constant 32 : i32
    %add3A_257 = arith.addi %while3A_235, %add3A_256 : i32
    %swap3A_258 = arith.index_cast %add3A_257 : i32 to index
    %swap3A_259 = tpu.vector_load %arg12[%swap3A_258] {strides = array<i32>} : memref<17696xi32, #tpu.memory_space<vmem>>, vector<16xi32>,
    tpu.vector_store %arg12[%swap3A_258], %broadcast_in_dim3A_255 {strides = array<i32>} : memref<17696xi32, #tpu.memory_space<vmem>>, vector<16xi32>,
    %broadcast_in_dim3A_260 = arith.constant 0 : i32
    %broadcast_in_dim3A_261 = vector.broadcast %broadcast_in_dim3A_260 : i32 to vector<16xi32>
    %add3A_262 = arith.constant 48 : i32
    %add3A_263 = arith.addi %while3A_235, %add3A_262 : i32
    %swap3A_264 = arith.index_cast %add3A_263 : i32 to index
    %swap3A_265 = tpu.vector_load %arg12[%swap3A_264] {strides = array<i32>} : memref<17696xi32, #tpu.memory_space<vmem>>, vector<16xi32>,
    tpu.vector_store %arg12[%swap3A_264], %broadcast_in_dim3A_261 {strides = array<i32>} : memref<17696xi32, #tpu.memory_space<vmem>>, vector<16xi32>,
    %broadcast_in_dim3A_266 = arith.constant 0 : i32
    %broadcast_in_dim3A_267 = vector.broadcast %broadcast_in_dim3A_266 : i32 to vector<16xi32>
    %add3A_268 = arith.constant 64 : i32
    %add3A_269 = arith.addi %while3A_235, %add3A_268 : i32
    %swap3A_270 = arith.index_cast %add3A_269 : i32 to index
    %swap3A_271 = tpu.vector_load %arg12[%swap3A_270] {strides = array<i32>} : memref<17696xi32, #tpu.memory_space<vmem>>, vector<16xi32>,
    tpu.vector_store %arg12[%swap3A_270], %broadcast_in_dim3A_267 {strides = array<i32>} : memref<17696xi32, #tpu.memory_space<vmem>>, vector<16xi32>,
    %broadcast_in_dim3A_272 = arith.constant 0 : i32
    %broadcast_in_dim3A_273 = vector.broadcast %broadcast_in_dim3A_272 : i32 to vector<16xi32>
    %add3A_274 = arith.constant 80 : i32
    %add3A_275 = arith.addi %while3A_235, %add3A_274 : i32
    %swap3A_276 = arith.index_cast %add3A_275 : i32 to index
    %swap3A_277 = tpu.vector_load %arg12[%swap3A_276] {strides = array<i32>} : memref<17696xi32, #tpu.memory_space<vmem>>, vector<16xi32>,
    tpu.vector_store %arg12[%swap3A_276], %broadcast_in_dim3A_273 {strides = array<i32>} : memref<17696xi32, #tpu.memory_space<vmem>>, vector<16xi32>,
    %broadcast_in_dim3A_278 = arith.constant 0 : i32
    %broadcast_in_dim3A_279 = vector.broadcast %broadcast_in_dim3A_278 : i32 to vector<16xi32>
    %add3A_280 = arith.constant 96 : i32
    %add3A_281 = arith.addi %while3A_235, %add3A_280 : i32
    %swap3A_282 = arith.index_cast %add3A_281 : i32 to index
    %swap3A_283 = tpu.vector_load %arg12[%swap3A_282] {strides = array<i32>} : memref<17696xi32, #tpu.memory_space<vmem>>, vector<16xi32>,
    tpu.vector_store %arg12[%swap3A_282], %broadcast_in_dim3A_279 {strides = array<i32>} : memref<17696xi32, #tpu.memory_space<vmem>>, vector<16xi32>,
    %broadcast_in_dim3A_284 = arith.constant 0 : i32
    %broadcast_in_dim3A_285 = vector.broadcast %broadcast_in_dim3A_284 : i32 to vector<16xi32>
    %add3A_286 = arith.constant 112 : i32
    %add3A_287 = arith.addi %while3A_235, %add3A_286 : i32
    %swap3A_288 = arith.index_cast %add3A_287 : i32 to index
    %swap3A_289 = tpu.vector_load %arg12[%swap3A_288] {strides = array<i32>} : memref<17696xi32, #tpu.memory_space<vmem>>, vector<16xi32>,
    tpu.vector_store %arg12[%swap3A_288], %broadcast_in_dim3A_285 {strides = array<i32>} : memref<17696xi32, #tpu.memory_space<vmem>>, vector<16xi32>,
    %add3A_290 = arith.constant 127 : i32
    %add3A_291 = arith.addi %while3A_235, %add3A_290 : i32
    %jit3A_292 = arith.constant 128 : i32
    %div3A_293 = arith.divsi %add3A_291, %jit3A_292 : i32
    %sign3A_294 = arith.constant 0 : i32
    %sign3A_295 = arith.cmpi sgt, %add3A_291, %sign3A_294 : i32
    %sign3A_296 = arith.extui %sign3A_295 : i1 to i32
    %sign3A_297 = arith.constant 0 : i32
    %sign3A_298 = arith.cmpi slt, %add3A_291, %sign3A_297 : i32
    %sign3A_299 = arith.extui %sign3A_298 : i1 to i32
    %sign3A_300 = arith.subi %sign3A_296, %sign3A_299 : i32
    %sign3A_301 = arith.constant 0 : i32
    %sign3A_302 = arith.cmpi sgt, %jit3A_292, %sign3A_301 : i32
    %sign3A_303 = arith.extui %sign3A_302 : i1 to i32
    %sign3A_304 = arith.constant 0 : i32
    %sign3A_305 = arith.cmpi slt, %jit3A_292, %sign3A_304 : i32
    %sign3A_306 = arith.extui %sign3A_305 : i1 to i32
    %sign3A_307 = arith.subi %sign3A_303, %sign3A_306 : i32
    %ne3A_308 = arith.cmpi ne, %sign3A_300, %sign3A_307 : i32
    %rem3A_309 = arith.remsi %add3A_291, %jit3A_292 : i32
    %ne3A_310 = arith.constant 0 : i32
    %ne3A_311 = arith.cmpi ne, %rem3A_309, %ne3A_310 : i32
    %and3A_312 = arith.andi %ne3A_308, %ne3A_311 : i1
    %sub3A_313 = arith.constant 1 : i32
    %sub3A_314 = arith.subi %div3A_293, %sub3A_313 : i32
    %select_n3A_315 = arith.select %and3A_312, %sub3A_314, %div3A_293 : i32
    %mul3A_316 = arith.constant 128 : i32
    %mul3A_317 = arith.muli %select_n3A_315, %mul3A_316 : i32
    %add3A_318 = arith.constant 24000 : i32
    %add3A_319 = arith.addi %select_n3A, %add3A_318 : i32
    %while3A_320 = arith.constant 0 : i32
    %while3A_321 = arith.subi %add3A_33, %while3A_320 : i32
    %while3A_322 = arith.addi %while3A_320, %while3A_321 : i32
    %while3A_323 = arith.constant 1 : i32
    %while3A_324 = arith.divsi %while3A_321, %while3A_323 : i32
    %while3A_325 = arith.muli %while3A_324, %while3A_323 : i32
    %while3A_326 = arith.addi %while3A_320, %while3A_325 : i32
    %while3A_327 = arith.constant 1 : i32
    %while3A_328 = scf.for %while3A_606 = %while3A_320 to %while3A_326 step %while3A_327 iter_args(%while3A_607 = %mul3A_317) -> (i32)  : i32 {
      %mul3A_608 = arith.constant 16 : i32
      %mul3A_609 = arith.muli %while3A_606, %mul3A_608 : i32
      %get3A_610 = arith.index_cast %mul3A_609 : i32 to index
      %get3A_611 = tpu.vector_load %arg9[%get3A_610] {strides = array<i32>} : memref<16416xi32, #tpu.memory_space<vmem>>, vector<16xi32>,
      %mul3A_612 = arith.constant 16 : i32
      %mul3A_613 = arith.muli %while3A_606, %mul3A_612 : i32
      %get3A_614 = arith.index_cast %mul3A_613 : i32 to index
      %get3A_615 = tpu.vector_load %arg10[%get3A_614] {strides = array<i32>} : memref<16416xi32, #tpu.memory_space<vmem>>, vector<16xi32>,
      %ge3A = vector.broadcast %add3A_319 : i32 to vector<16xi32>
      %ge3A_616 = arith.cmpi sge, %get3A_611, %ge3A : vector<16xi32>
      %add3A_617 = arith.constant 8000 : i32
      %add3A_618 = arith.addi %add3A_319, %add3A_617 : i32
      %lt3A_619 = vector.broadcast %add3A_618 : i32 to vector<16xi32>
      %lt3A_620 = arith.cmpi slt, %get3A_611, %lt3A_619 : vector<16xi32>
      %and3A_621 = arith.andi %ge3A_616, %lt3A_620 : vector<16xi1>
      %convert_element_type3A = arith.extui %and3A_621 : vector<16xi1> to vector<16xi32>
      %broadcast_in_dim3A_622 = arith.constant true
      %broadcast_in_dim3A_623 = vector.broadcast %broadcast_in_dim3A_622 : i1 to vector<16xi1>
      %masked_cumsum3A = tpu.scan <sum>, %convert_element_type3A masked %broadcast_in_dim3A_623 : vector<16xi32>, vector<16xi1> -> vector<16xi32>
      %add3A_624 = vector.broadcast %while3A_607 : i32 to vector<16xi32>
      %add3A_625 = arith.addi %add3A_624, %masked_cumsum3A : vector<16xi32>
      %sub3A_626 = arith.subi %add3A_625, %convert_element_type3A : vector<16xi32>
      tpu.vector_store_idx %arg11[%sub3A_626], %get3A_611 masked %and3A_621 : memref<17696xi32, #tpu.memory_space<vmem>>[vector<16xi32>], vector<16xi32>, vector<16xi1>
      tpu.vector_store_idx %arg12[%sub3A_626], %get3A_615 masked %and3A_621 : memref<17696xi32, #tpu.memory_space<vmem>>[vector<16xi32>], vector<16xi32>, vector<16xi1>
      %reduce_sum3A = arith.constant true
      %reduce_sum3A_627 = vector.broadcast %reduce_sum3A : i1 to vector<16xi1>
      %reduce_sum3A_628 = tpu.scan <sum>, %convert_element_type3A masked %reduce_sum3A_627 : vector<16xi32>, vector<16xi1> -> vector<16xi32>
      %reduce_sum3A_629 = vector.extract %reduce_sum3A_628[15] : i32 from vector<16xi32>
      %add3A_630 = arith.addi %while3A_607, %reduce_sum3A_629 : i32
      scf.yield %add3A_630 : i32
    }
    %while3A_329 = arith.constant 1 : i32
    %while3A_330 = scf.for %while3A_606 = %while3A_326 to %while3A_322 step %while3A_329 iter_args(%while3A_607 = %while3A_328) -> (i32)  : i32 {
      %mul3A_608 = arith.constant 16 : i32
      %mul3A_609 = arith.muli %while3A_606, %mul3A_608 : i32
      %get3A_610 = arith.index_cast %mul3A_609 : i32 to index
      %get3A_611 = tpu.vector_load %arg9[%get3A_610] {strides = array<i32>} : memref<16416xi32, #tpu.memory_space<vmem>>, vector<16xi32>,
      %mul3A_612 = arith.constant 16 : i32
      %mul3A_613 = arith.muli %while3A_606, %mul3A_612 : i32
      %get3A_614 = arith.index_cast %mul3A_613 : i32 to index
      %get3A_615 = tpu.vector_load %arg10[%get3A_614] {strides = array<i32>} : memref<16416xi32, #tpu.memory_space<vmem>>, vector<16xi32>,
      %ge3A = vector.broadcast %add3A_319 : i32 to vector<16xi32>
      %ge3A_616 = arith.cmpi sge, %get3A_611, %ge3A : vector<16xi32>
      %add3A_617 = arith.constant 8000 : i32
      %add3A_618 = arith.addi %add3A_319, %add3A_617 : i32
      %lt3A_619 = vector.broadcast %add3A_618 : i32 to vector<16xi32>
      %lt3A_620 = arith.cmpi slt, %get3A_611, %lt3A_619 : vector<16xi32>
      %and3A_621 = arith.andi %ge3A_616, %lt3A_620 : vector<16xi1>
      %convert_element_type3A = arith.extui %and3A_621 : vector<16xi1> to vector<16xi32>
      %broadcast_in_dim3A_622 = arith.constant true
      %broadcast_in_dim3A_623 = vector.broadcast %broadcast_in_dim3A_622 : i1 to vector<16xi1>
      %masked_cumsum3A = tpu.scan <sum>, %convert_element_type3A masked %broadcast_in_dim3A_623 : vector<16xi32>, vector<16xi1> -> vector<16xi32>
      %add3A_624 = vector.broadcast %while3A_607 : i32 to vector<16xi32>
      %add3A_625 = arith.addi %add3A_624, %masked_cumsum3A : vector<16xi32>
      %sub3A_626 = arith.subi %add3A_625, %convert_element_type3A : vector<16xi32>
      tpu.vector_store_idx %arg11[%sub3A_626], %get3A_611 masked %and3A_621 : memref<17696xi32, #tpu.memory_space<vmem>>[vector<16xi32>], vector<16xi32>, vector<16xi1>
      tpu.vector_store_idx %arg12[%sub3A_626], %get3A_615 masked %and3A_621 : memref<17696xi32, #tpu.memory_space<vmem>>[vector<16xi32>], vector<16xi32>, vector<16xi1>
      %reduce_sum3A = arith.constant true
      %reduce_sum3A_627 = vector.broadcast %reduce_sum3A : i1 to vector<16xi1>
      %reduce_sum3A_628 = tpu.scan <sum>, %convert_element_type3A masked %reduce_sum3A_627 : vector<16xi32>, vector<16xi1> -> vector<16xi32>
      %reduce_sum3A_629 = vector.extract %reduce_sum3A_628[15] : i32 from vector<16xi32>
      %add3A_630 = arith.addi %while3A_607, %reduce_sum3A_629 : i32
      scf.yield %add3A_630 : i32
    }
    %broadcast_in_dim3A_331 = arith.constant 3 : i32
    %broadcast_in_dim3A_332 = vector.broadcast %broadcast_in_dim3A_331 : i32 to vector<16xi32>
    %broadcast_in_dim3A_333 = vector.broadcast %while3A_330 : i32 to vector<16xi32>
    %eq3A_334 = arith.constant 0 : i32
    %eq3A_335 = vector.broadcast %eq3A_334 : i32 to vector<16xi32>
    %eq3A_336 = arith.cmpi eq, %iota3A, %eq3A_335 : vector<16xi32>
    tpu.vector_store_idx %arg13[%broadcast_in_dim3A_332], %broadcast_in_dim3A_333 masked %eq3A_336 : memref<16xi32, #tpu.memory_space<vmem>>[vector<16xi32>], vector<16xi32>, vector<16xi1>
    %broadcast_in_dim3A_337 = arith.constant 0 : i32
    %broadcast_in_dim3A_338 = vector.broadcast %broadcast_in_dim3A_337 : i32 to vector<16xi32>
    %add3A_339 = arith.constant 0 : i32
    %add3A_340 = arith.addi %while3A_330, %add3A_339 : i32
    %swap3A_341 = arith.index_cast %add3A_340 : i32 to index
    %swap3A_342 = tpu.vector_load %arg12[%swap3A_341] {strides = array<i32>} : memref<17696xi32, #tpu.memory_space<vmem>>, vector<16xi32>,
    tpu.vector_store %arg12[%swap3A_341], %broadcast_in_dim3A_338 {strides = array<i32>} : memref<17696xi32, #tpu.memory_space<vmem>>, vector<16xi32>,
    %broadcast_in_dim3A_343 = arith.constant 0 : i32
    %broadcast_in_dim3A_344 = vector.broadcast %broadcast_in_dim3A_343 : i32 to vector<16xi32>
    %add3A_345 = arith.constant 16 : i32
    %add3A_346 = arith.addi %while3A_330, %add3A_345 : i32
    %swap3A_347 = arith.index_cast %add3A_346 : i32 to index
    %swap3A_348 = tpu.vector_load %arg12[%swap3A_347] {strides = array<i32>} : memref<17696xi32, #tpu.memory_space<vmem>>, vector<16xi32>,
    tpu.vector_store %arg12[%swap3A_347], %broadcast_in_dim3A_344 {strides = array<i32>} : memref<17696xi32, #tpu.memory_space<vmem>>, vector<16xi32>,
    %broadcast_in_dim3A_349 = arith.constant 0 : i32
    %broadcast_in_dim3A_350 = vector.broadcast %broadcast_in_dim3A_349 : i32 to vector<16xi32>
    %add3A_351 = arith.constant 32 : i32
    %add3A_352 = arith.addi %while3A_330, %add3A_351 : i32
    %swap3A_353 = arith.index_cast %add3A_352 : i32 to index
    %swap3A_354 = tpu.vector_load %arg12[%swap3A_353] {strides = array<i32>} : memref<17696xi32, #tpu.memory_space<vmem>>, vector<16xi32>,
    tpu.vector_store %arg12[%swap3A_353], %broadcast_in_dim3A_350 {strides = array<i32>} : memref<17696xi32, #tpu.memory_space<vmem>>, vector<16xi32>,
    %broadcast_in_dim3A_355 = arith.constant 0 : i32
    %broadcast_in_dim3A_356 = vector.broadcast %broadcast_in_dim3A_355 : i32 to vector<16xi32>
    %add3A_357 = arith.constant 48 : i32
    %add3A_358 = arith.addi %while3A_330, %add3A_357 : i32
    %swap3A_359 = arith.index_cast %add3A_358 : i32 to index
    %swap3A_360 = tpu.vector_load %arg12[%swap3A_359] {strides = array<i32>} : memref<17696xi32, #tpu.memory_space<vmem>>, vector<16xi32>,
    tpu.vector_store %arg12[%swap3A_359], %broadcast_in_dim3A_356 {strides = array<i32>} : memref<17696xi32, #tpu.memory_space<vmem>>, vector<16xi32>,
    %broadcast_in_dim3A_361 = arith.constant 0 : i32
    %broadcast_in_dim3A_362 = vector.broadcast %broadcast_in_dim3A_361 : i32 to vector<16xi32>
    %add3A_363 = arith.constant 64 : i32
    %add3A_364 = arith.addi %while3A_330, %add3A_363 : i32
    %swap3A_365 = arith.index_cast %add3A_364 : i32 to index
    %swap3A_366 = tpu.vector_load %arg12[%swap3A_365] {strides = array<i32>} : memref<17696xi32, #tpu.memory_space<vmem>>, vector<16xi32>,
    tpu.vector_store %arg12[%swap3A_365], %broadcast_in_dim3A_362 {strides = array<i32>} : memref<17696xi32, #tpu.memory_space<vmem>>, vector<16xi32>,
    %broadcast_in_dim3A_367 = arith.constant 0 : i32
    %broadcast_in_dim3A_368 = vector.broadcast %broadcast_in_dim3A_367 : i32 to vector<16xi32>
    %add3A_369 = arith.constant 80 : i32
    %add3A_370 = arith.addi %while3A_330, %add3A_369 : i32
    %swap3A_371 = arith.index_cast %add3A_370 : i32 to index
    %swap3A_372 = tpu.vector_load %arg12[%swap3A_371] {strides = array<i32>} : memref<17696xi32, #tpu.memory_space<vmem>>, vector<16xi32>,
    tpu.vector_store %arg12[%swap3A_371], %broadcast_in_dim3A_368 {strides = array<i32>} : memref<17696xi32, #tpu.memory_space<vmem>>, vector<16xi32>,
    %broadcast_in_dim3A_373 = arith.constant 0 : i32
    %broadcast_in_dim3A_374 = vector.broadcast %broadcast_in_dim3A_373 : i32 to vector<16xi32>
    %add3A_375 = arith.constant 96 : i32
    %add3A_376 = arith.addi %while3A_330, %add3A_375 : i32
    %swap3A_377 = arith.index_cast %add3A_376 : i32 to index
    %swap3A_378 = tpu.vector_load %arg12[%swap3A_377] {strides = array<i32>} : memref<17696xi32, #tpu.memory_space<vmem>>, vector<16xi32>,
    tpu.vector_store %arg12[%swap3A_377], %broadcast_in_dim3A_374 {strides = array<i32>} : memref<17696xi32, #tpu.memory_space<vmem>>, vector<16xi32>,
    %broadcast_in_dim3A_379 = arith.constant 0 : i32
    %broadcast_in_dim3A_380 = vector.broadcast %broadcast_in_dim3A_379 : i32 to vector<16xi32>
    %add3A_381 = arith.constant 112 : i32
    %add3A_382 = arith.addi %while3A_330, %add3A_381 : i32
    %swap3A_383 = arith.index_cast %add3A_382 : i32 to index
    %swap3A_384 = tpu.vector_load %arg12[%swap3A_383] {strides = array<i32>} : memref<17696xi32, #tpu.memory_space<vmem>>, vector<16xi32>,
    tpu.vector_store %arg12[%swap3A_383], %broadcast_in_dim3A_380 {strides = array<i32>} : memref<17696xi32, #tpu.memory_space<vmem>>, vector<16xi32>,
    %add3A_385 = arith.constant 127 : i32
    %add3A_386 = arith.addi %while3A_330, %add3A_385 : i32
    %jit3A_387 = arith.constant 128 : i32
    %div3A_388 = arith.divsi %add3A_386, %jit3A_387 : i32
    %sign3A_389 = arith.constant 0 : i32
    %sign3A_390 = arith.cmpi sgt, %add3A_386, %sign3A_389 : i32
    %sign3A_391 = arith.extui %sign3A_390 : i1 to i32
    %sign3A_392 = arith.constant 0 : i32
    %sign3A_393 = arith.cmpi slt, %add3A_386, %sign3A_392 : i32
    %sign3A_394 = arith.extui %sign3A_393 : i1 to i32
    %sign3A_395 = arith.subi %sign3A_391, %sign3A_394 : i32
    %sign3A_396 = arith.constant 0 : i32
    %sign3A_397 = arith.cmpi sgt, %jit3A_387, %sign3A_396 : i32
    %sign3A_398 = arith.extui %sign3A_397 : i1 to i32
    %sign3A_399 = arith.constant 0 : i32
    %sign3A_400 = arith.cmpi slt, %jit3A_387, %sign3A_399 : i32
    %sign3A_401 = arith.extui %sign3A_400 : i1 to i32
    %sign3A_402 = arith.subi %sign3A_398, %sign3A_401 : i32
    %ne3A_403 = arith.cmpi ne, %sign3A_395, %sign3A_402 : i32
    %rem3A_404 = arith.remsi %add3A_386, %jit3A_387 : i32
    %ne3A_405 = arith.constant 0 : i32
    %ne3A_406 = arith.cmpi ne, %rem3A_404, %ne3A_405 : i32
    %and3A_407 = arith.andi %ne3A_403, %ne3A_406 : i1
    %sub3A_408 = arith.constant 1 : i32
    %sub3A_409 = arith.subi %div3A_388, %sub3A_408 : i32
    %select_n3A_410 = arith.select %and3A_407, %sub3A_409, %div3A_388 : i32
    %mul3A_411 = arith.constant 128 : i32
    %mul3A_412 = arith.muli %select_n3A_410, %mul3A_411 : i32
    %add3A_413 = arith.constant 32000 : i32
    %add3A_414 = arith.addi %select_n3A, %add3A_413 : i32
    %while3A_415 = arith.constant 0 : i32
    %while3A_416 = arith.subi %add3A_33, %while3A_415 : i32
    %while3A_417 = arith.addi %while3A_415, %while3A_416 : i32
    %while3A_418 = arith.constant 1 : i32
    %while3A_419 = arith.divsi %while3A_416, %while3A_418 : i32
    %while3A_420 = arith.muli %while3A_419, %while3A_418 : i32
    %while3A_421 = arith.addi %while3A_415, %while3A_420 : i32
    %while3A_422 = arith.constant 1 : i32
    %while3A_423 = scf.for %while3A_606 = %while3A_415 to %while3A_421 step %while3A_422 iter_args(%while3A_607 = %mul3A_412) -> (i32)  : i32 {
      %mul3A_608 = arith.constant 16 : i32
      %mul3A_609 = arith.muli %while3A_606, %mul3A_608 : i32
      %get3A_610 = arith.index_cast %mul3A_609 : i32 to index
      %get3A_611 = tpu.vector_load %arg9[%get3A_610] {strides = array<i32>} : memref<16416xi32, #tpu.memory_space<vmem>>, vector<16xi32>,
      %mul3A_612 = arith.constant 16 : i32
      %mul3A_613 = arith.muli %while3A_606, %mul3A_612 : i32
      %get3A_614 = arith.index_cast %mul3A_613 : i32 to index
      %get3A_615 = tpu.vector_load %arg10[%get3A_614] {strides = array<i32>} : memref<16416xi32, #tpu.memory_space<vmem>>, vector<16xi32>,
      %ge3A = vector.broadcast %add3A_414 : i32 to vector<16xi32>
      %ge3A_616 = arith.cmpi sge, %get3A_611, %ge3A : vector<16xi32>
      %add3A_617 = arith.constant 8000 : i32
      %add3A_618 = arith.addi %add3A_414, %add3A_617 : i32
      %lt3A_619 = vector.broadcast %add3A_618 : i32 to vector<16xi32>
      %lt3A_620 = arith.cmpi slt, %get3A_611, %lt3A_619 : vector<16xi32>
      %and3A_621 = arith.andi %ge3A_616, %lt3A_620 : vector<16xi1>
      %convert_element_type3A = arith.extui %and3A_621 : vector<16xi1> to vector<16xi32>
      %broadcast_in_dim3A_622 = arith.constant true
      %broadcast_in_dim3A_623 = vector.broadcast %broadcast_in_dim3A_622 : i1 to vector<16xi1>
      %masked_cumsum3A = tpu.scan <sum>, %convert_element_type3A masked %broadcast_in_dim3A_623 : vector<16xi32>, vector<16xi1> -> vector<16xi32>
      %add3A_624 = vector.broadcast %while3A_607 : i32 to vector<16xi32>
      %add3A_625 = arith.addi %add3A_624, %masked_cumsum3A : vector<16xi32>
      %sub3A_626 = arith.subi %add3A_625, %convert_element_type3A : vector<16xi32>
      tpu.vector_store_idx %arg11[%sub3A_626], %get3A_611 masked %and3A_621 : memref<17696xi32, #tpu.memory_space<vmem>>[vector<16xi32>], vector<16xi32>, vector<16xi1>
      tpu.vector_store_idx %arg12[%sub3A_626], %get3A_615 masked %and3A_621 : memref<17696xi32, #tpu.memory_space<vmem>>[vector<16xi32>], vector<16xi32>, vector<16xi1>
      %reduce_sum3A = arith.constant true
      %reduce_sum3A_627 = vector.broadcast %reduce_sum3A : i1 to vector<16xi1>
      %reduce_sum3A_628 = tpu.scan <sum>, %convert_element_type3A masked %reduce_sum3A_627 : vector<16xi32>, vector<16xi1> -> vector<16xi32>
      %reduce_sum3A_629 = vector.extract %reduce_sum3A_628[15] : i32 from vector<16xi32>
      %add3A_630 = arith.addi %while3A_607, %reduce_sum3A_629 : i32
      scf.yield %add3A_630 : i32
    }
    %while3A_424 = arith.constant 1 : i32
    %while3A_425 = scf.for %while3A_606 = %while3A_421 to %while3A_417 step %while3A_424 iter_args(%while3A_607 = %while3A_423) -> (i32)  : i32 {
      %mul3A_608 = arith.constant 16 : i32
      %mul3A_609 = arith.muli %while3A_606, %mul3A_608 : i32
      %get3A_610 = arith.index_cast %mul3A_609 : i32 to index
      %get3A_611 = tpu.vector_load %arg9[%get3A_610] {strides = array<i32>} : memref<16416xi32, #tpu.memory_space<vmem>>, vector<16xi32>,
      %mul3A_612 = arith.constant 16 : i32
      %mul3A_613 = arith.muli %while3A_606, %mul3A_612 : i32
      %get3A_614 = arith.index_cast %mul3A_613 : i32 to index
      %get3A_615 = tpu.vector_load %arg10[%get3A_614] {strides = array<i32>} : memref<16416xi32, #tpu.memory_space<vmem>>, vector<16xi32>,
      %ge3A = vector.broadcast %add3A_414 : i32 to vector<16xi32>
      %ge3A_616 = arith.cmpi sge, %get3A_611, %ge3A : vector<16xi32>
      %add3A_617 = arith.constant 8000 : i32
      %add3A_618 = arith.addi %add3A_414, %add3A_617 : i32
      %lt3A_619 = vector.broadcast %add3A_618 : i32 to vector<16xi32>
      %lt3A_620 = arith.cmpi slt, %get3A_611, %lt3A_619 : vector<16xi32>
      %and3A_621 = arith.andi %ge3A_616, %lt3A_620 : vector<16xi1>
      %convert_element_type3A = arith.extui %and3A_621 : vector<16xi1> to vector<16xi32>
      %broadcast_in_dim3A_622 = arith.constant true
      %broadcast_in_dim3A_623 = vector.broadcast %broadcast_in_dim3A_622 : i1 to vector<16xi1>
      %masked_cumsum3A = tpu.scan <sum>, %convert_element_type3A masked %broadcast_in_dim3A_623 : vector<16xi32>, vector<16xi1> -> vector<16xi32>
      %add3A_624 = vector.broadcast %while3A_607 : i32 to vector<16xi32>
      %add3A_625 = arith.addi %add3A_624, %masked_cumsum3A : vector<16xi32>
      %sub3A_626 = arith.subi %add3A_625, %convert_element_type3A : vector<16xi32>
      tpu.vector_store_idx %arg11[%sub3A_626], %get3A_611 masked %and3A_621 : memref<17696xi32, #tpu.memory_space<vmem>>[vector<16xi32>], vector<16xi32>, vector<16xi1>
      tpu.vector_store_idx %arg12[%sub3A_626], %get3A_615 masked %and3A_621 : memref<17696xi32, #tpu.memory_space<vmem>>[vector<16xi32>], vector<16xi32>, vector<16xi1>
      %reduce_sum3A = arith.constant true
      %reduce_sum3A_627 = vector.broadcast %reduce_sum3A : i1 to vector<16xi1>
      %reduce_sum3A_628 = tpu.scan <sum>, %convert_element_type3A masked %reduce_sum3A_627 : vector<16xi32>, vector<16xi1> -> vector<16xi32>
      %reduce_sum3A_629 = vector.extract %reduce_sum3A_628[15] : i32 from vector<16xi32>
      %add3A_630 = arith.addi %while3A_607, %reduce_sum3A_629 : i32
      scf.yield %add3A_630 : i32
    }
    %broadcast_in_dim3A_426 = arith.constant 4 : i32
    %broadcast_in_dim3A_427 = vector.broadcast %broadcast_in_dim3A_426 : i32 to vector<16xi32>
    %broadcast_in_dim3A_428 = vector.broadcast %while3A_425 : i32 to vector<16xi32>
    %eq3A_429 = arith.constant 0 : i32
    %eq3A_430 = vector.broadcast %eq3A_429 : i32 to vector<16xi32>
    %eq3A_431 = arith.cmpi eq, %iota3A, %eq3A_430 : vector<16xi32>
    tpu.vector_store_idx %arg13[%broadcast_in_dim3A_427], %broadcast_in_dim3A_428 masked %eq3A_431 : memref<16xi32, #tpu.memory_space<vmem>>[vector<16xi32>], vector<16xi32>, vector<16xi1>
    %broadcast_in_dim3A_432 = arith.constant 0 : i32
    %broadcast_in_dim3A_433 = vector.broadcast %broadcast_in_dim3A_432 : i32 to vector<16xi32>
    %add3A_434 = arith.constant 0 : i32
    %add3A_435 = arith.addi %while3A_425, %add3A_434 : i32
    %swap3A_436 = arith.index_cast %add3A_435 : i32 to index
    %swap3A_437 = tpu.vector_load %arg12[%swap3A_436] {strides = array<i32>} : memref<17696xi32, #tpu.memory_space<vmem>>, vector<16xi32>,
    tpu.vector_store %arg12[%swap3A_436], %broadcast_in_dim3A_433 {strides = array<i32>} : memref<17696xi32, #tpu.memory_space<vmem>>, vector<16xi32>,
    %broadcast_in_dim3A_438 = arith.constant 0 : i32
    %broadcast_in_dim3A_439 = vector.broadcast %broadcast_in_dim3A_438 : i32 to vector<16xi32>
    %add3A_440 = arith.constant 16 : i32
    %add3A_441 = arith.addi %while3A_425, %add3A_440 : i32
    %swap3A_442 = arith.index_cast %add3A_441 : i32 to index
    %swap3A_443 = tpu.vector_load %arg12[%swap3A_442] {strides = array<i32>} : memref<17696xi32, #tpu.memory_space<vmem>>, vector<16xi32>,
    tpu.vector_store %arg12[%swap3A_442], %broadcast_in_dim3A_439 {strides = array<i32>} : memref<17696xi32, #tpu.memory_space<vmem>>, vector<16xi32>,
    %broadcast_in_dim3A_444 = arith.constant 0 : i32
    %broadcast_in_dim3A_445 = vector.broadcast %broadcast_in_dim3A_444 : i32 to vector<16xi32>
    %add3A_446 = arith.constant 32 : i32
    %add3A_447 = arith.addi %while3A_425, %add3A_446 : i32
    %swap3A_448 = arith.index_cast %add3A_447 : i32 to index
    %swap3A_449 = tpu.vector_load %arg12[%swap3A_448] {strides = array<i32>} : memref<17696xi32, #tpu.memory_space<vmem>>, vector<16xi32>,
    tpu.vector_store %arg12[%swap3A_448], %broadcast_in_dim3A_445 {strides = array<i32>} : memref<17696xi32, #tpu.memory_space<vmem>>, vector<16xi32>,
    %broadcast_in_dim3A_450 = arith.constant 0 : i32
    %broadcast_in_dim3A_451 = vector.broadcast %broadcast_in_dim3A_450 : i32 to vector<16xi32>
    %add3A_452 = arith.constant 48 : i32
    %add3A_453 = arith.addi %while3A_425, %add3A_452 : i32
    %swap3A_454 = arith.index_cast %add3A_453 : i32 to index
    %swap3A_455 = tpu.vector_load %arg12[%swap3A_454] {strides = array<i32>} : memref<17696xi32, #tpu.memory_space<vmem>>, vector<16xi32>,
    tpu.vector_store %arg12[%swap3A_454], %broadcast_in_dim3A_451 {strides = array<i32>} : memref<17696xi32, #tpu.memory_space<vmem>>, vector<16xi32>,
    %broadcast_in_dim3A_456 = arith.constant 0 : i32
    %broadcast_in_dim3A_457 = vector.broadcast %broadcast_in_dim3A_456 : i32 to vector<16xi32>
    %add3A_458 = arith.constant 64 : i32
    %add3A_459 = arith.addi %while3A_425, %add3A_458 : i32
    %swap3A_460 = arith.index_cast %add3A_459 : i32 to index
    %swap3A_461 = tpu.vector_load %arg12[%swap3A_460] {strides = array<i32>} : memref<17696xi32, #tpu.memory_space<vmem>>, vector<16xi32>,
    tpu.vector_store %arg12[%swap3A_460], %broadcast_in_dim3A_457 {strides = array<i32>} : memref<17696xi32, #tpu.memory_space<vmem>>, vector<16xi32>,
    %broadcast_in_dim3A_462 = arith.constant 0 : i32
    %broadcast_in_dim3A_463 = vector.broadcast %broadcast_in_dim3A_462 : i32 to vector<16xi32>
    %add3A_464 = arith.constant 80 : i32
    %add3A_465 = arith.addi %while3A_425, %add3A_464 : i32
    %swap3A_466 = arith.index_cast %add3A_465 : i32 to index
    %swap3A_467 = tpu.vector_load %arg12[%swap3A_466] {strides = array<i32>} : memref<17696xi32, #tpu.memory_space<vmem>>, vector<16xi32>,
    tpu.vector_store %arg12[%swap3A_466], %broadcast_in_dim3A_463 {strides = array<i32>} : memref<17696xi32, #tpu.memory_space<vmem>>, vector<16xi32>,
    %broadcast_in_dim3A_468 = arith.constant 0 : i32
    %broadcast_in_dim3A_469 = vector.broadcast %broadcast_in_dim3A_468 : i32 to vector<16xi32>
    %add3A_470 = arith.constant 96 : i32
    %add3A_471 = arith.addi %while3A_425, %add3A_470 : i32
    %swap3A_472 = arith.index_cast %add3A_471 : i32 to index
    %swap3A_473 = tpu.vector_load %arg12[%swap3A_472] {strides = array<i32>} : memref<17696xi32, #tpu.memory_space<vmem>>, vector<16xi32>,
    tpu.vector_store %arg12[%swap3A_472], %broadcast_in_dim3A_469 {strides = array<i32>} : memref<17696xi32, #tpu.memory_space<vmem>>, vector<16xi32>,
    %broadcast_in_dim3A_474 = arith.constant 0 : i32
    %broadcast_in_dim3A_475 = vector.broadcast %broadcast_in_dim3A_474 : i32 to vector<16xi32>
    %add3A_476 = arith.constant 112 : i32
    %add3A_477 = arith.addi %while3A_425, %add3A_476 : i32
    %swap3A_478 = arith.index_cast %add3A_477 : i32 to index
    %swap3A_479 = tpu.vector_load %arg12[%swap3A_478] {strides = array<i32>} : memref<17696xi32, #tpu.memory_space<vmem>>, vector<16xi32>,
    tpu.vector_store %arg12[%swap3A_478], %broadcast_in_dim3A_475 {strides = array<i32>} : memref<17696xi32, #tpu.memory_space<vmem>>, vector<16xi32>,
    %add3A_480 = arith.constant 127 : i32
    %add3A_481 = arith.addi %while3A_425, %add3A_480 : i32
    %jit3A_482 = arith.constant 128 : i32
    %div3A_483 = arith.divsi %add3A_481, %jit3A_482 : i32
    %sign3A_484 = arith.constant 0 : i32
    %sign3A_485 = arith.cmpi sgt, %add3A_481, %sign3A_484 : i32
    %sign3A_486 = arith.extui %sign3A_485 : i1 to i32
    %sign3A_487 = arith.constant 0 : i32
    %sign3A_488 = arith.cmpi slt, %add3A_481, %sign3A_487 : i32
    %sign3A_489 = arith.extui %sign3A_488 : i1 to i32
    %sign3A_490 = arith.subi %sign3A_486, %sign3A_489 : i32
    %sign3A_491 = arith.constant 0 : i32
    %sign3A_492 = arith.cmpi sgt, %jit3A_482, %sign3A_491 : i32
    %sign3A_493 = arith.extui %sign3A_492 : i1 to i32
    %sign3A_494 = arith.constant 0 : i32
    %sign3A_495 = arith.cmpi slt, %jit3A_482, %sign3A_494 : i32
    %sign3A_496 = arith.extui %sign3A_495 : i1 to i32
    %sign3A_497 = arith.subi %sign3A_493, %sign3A_496 : i32
    %ne3A_498 = arith.cmpi ne, %sign3A_490, %sign3A_497 : i32
    %rem3A_499 = arith.remsi %add3A_481, %jit3A_482 : i32
    %ne3A_500 = arith.constant 0 : i32
    %ne3A_501 = arith.cmpi ne, %rem3A_499, %ne3A_500 : i32
    %and3A_502 = arith.andi %ne3A_498, %ne3A_501 : i1
    %sub3A_503 = arith.constant 1 : i32
    %sub3A_504 = arith.subi %div3A_483, %sub3A_503 : i32
    %select_n3A_505 = arith.select %and3A_502, %sub3A_504, %div3A_483 : i32
    %mul3A_506 = arith.constant 128 : i32
    %mul3A_507 = arith.muli %select_n3A_505, %mul3A_506 : i32
    %get3A = arith.constant 0 : index
    %get3A_508 = tpu.vector_load %arg13[%get3A] {strides = array<i32>} : memref<16xi32, #tpu.memory_space<vmem>>, vector<16xi32>,
    %sub3A_509 = arith.constant 1 : i32
    %sub3A_510 = vector.broadcast %sub3A_509 : i32 to vector<16xi32>
    %sub3A_511 = arith.subi %iota3A, %sub3A_510 : vector<16xi32>
    %max3A = arith.constant 0 : i32
    %max3A_512 = vector.broadcast %max3A : i32 to vector<16xi32>
    %max3A_513 = arith.maxsi %sub3A_511, %max3A_512 : vector<16xi32>
    %gather3A = tpu.vector_load_idx %arg13[%max3A_513] : memref<16xi32, #tpu.memory_space<vmem>>[vector<16xi32>], vector<16xi32>,
    %eq3A_514 = arith.constant 0 : i32
    %eq3A_515 = vector.broadcast %eq3A_514 : i32 to vector<16xi32>
    %eq3A_516 = arith.cmpi eq, %iota3A, %eq3A_515 : vector<16xi32>
    %jit3A_517 = arith.constant 0 : i32
    %broadcast_in_dim3A_518 = vector.broadcast %jit3A_517 : i32 to vector<16xi32>
    %select_n3A_519 = arith.select %eq3A_516, %broadcast_in_dim3A_518, %gather3A : vector<16xi1>, vector<16xi32>
    %add3A_520 = arith.constant 127 : i32
    %add3A_521 = vector.broadcast %add3A_520 : i32 to vector<16xi32>
    %add3A_522 = arith.addi %select_n3A_519, %add3A_521 : vector<16xi32>
    %jit3A_523 = arith.constant 128 : i32
    %div3A_524 = vector.broadcast %jit3A_523 : i32 to vector<16xi32>
    %div3A_525 = arith.divsi %add3A_522, %div3A_524 : vector<16xi32>
    %sign3A_526 = arith.constant 0 : i32
    %sign3A_527 = vector.broadcast %sign3A_526 : i32 to vector<16xi32>
    %sign3A_528 = arith.cmpi sgt, %add3A_522, %sign3A_527 : vector<16xi32>
    %sign3A_529 = arith.extui %sign3A_528 : vector<16xi1> to vector<16xi32>
    %sign3A_530 = arith.constant 0 : i32
    %sign3A_531 = vector.broadcast %sign3A_530 : i32 to vector<16xi32>
    %sign3A_532 = arith.cmpi slt, %add3A_522, %sign3A_531 : vector<16xi32>
    %sign3A_533 = arith.extui %sign3A_532 : vector<16xi1> to vector<16xi32>
    %sign3A_534 = arith.subi %sign3A_529, %sign3A_533 : vector<16xi32>
    %sign3A_535 = arith.constant 0 : i32
    %sign3A_536 = arith.cmpi sgt, %jit3A_523, %sign3A_535 : i32
    %sign3A_537 = arith.extui %sign3A_536 : i1 to i32
    %sign3A_538 = arith.constant 0 : i32
    %sign3A_539 = arith.cmpi slt, %jit3A_523, %sign3A_538 : i32
    %sign3A_540 = arith.extui %sign3A_539 : i1 to i32
    %sign3A_541 = arith.subi %sign3A_537, %sign3A_540 : i32
    %ne3A_542 = vector.broadcast %sign3A_541 : i32 to vector<16xi32>
    %ne3A_543 = arith.cmpi ne, %sign3A_534, %ne3A_542 : vector<16xi32>
    %rem3A_544 = vector.broadcast %jit3A_523 : i32 to vector<16xi32>
    %rem3A_545 = arith.remsi %add3A_522, %rem3A_544 : vector<16xi32>
    %ne3A_546 = arith.constant 0 : i32
    %ne3A_547 = vector.broadcast %ne3A_546 : i32 to vector<16xi32>
    %ne3A_548 = arith.cmpi ne, %rem3A_545, %ne3A_547 : vector<16xi32>
    %and3A_549 = arith.andi %ne3A_543, %ne3A_548 : vector<16xi1>
    %sub3A_550 = arith.constant 1 : i32
    %sub3A_551 = vector.broadcast %sub3A_550 : i32 to vector<16xi32>
    %sub3A_552 = arith.subi %div3A_525, %sub3A_551 : vector<16xi32>
    %select_n3A_553 = arith.select %and3A_549, %sub3A_552, %div3A_525 : vector<16xi1>, vector<16xi32>
    %mul3A_554 = arith.constant 128 : i32
    %mul3A_555 = vector.broadcast %mul3A_554 : i32 to vector<16xi32>
    %mul3A_556 = arith.muli %select_n3A_553, %mul3A_555 : vector<16xi32>
    %mul3A_557 = arith.constant 17664 : i32
    %mul3A_558 = arith.muli %add3A, %mul3A_557 : i32
    %add3A_559 = vector.broadcast %mul3A_558 : i32 to vector<16xi32>
    %add3A_560 = arith.addi %add3A_559, %mul3A_556 : vector<16xi32>
    %swap3A_561 = arith.constant 0 : index
    %swap3A_562 = tpu.vector_load %arg14[%swap3A_561] {strides = array<i32>} : memref<32xi32, #tpu.memory_space<vmem>>, vector<16xi32>,
    tpu.vector_store %arg14[%swap3A_561], %add3A_560 {strides = array<i32>} : memref<32xi32, #tpu.memory_space<vmem>>, vector<16xi32>,
    %sub3A_563 = arith.subi %get3A_508, %mul3A_556 : vector<16xi32>
    %swap3A_564 = arith.constant 16 : index
    %swap3A_565 = tpu.vector_load %arg14[%swap3A_564] {strides = array<i32>} : memref<32xi32, #tpu.memory_space<vmem>>, vector<16xi32>,
    tpu.vector_store %arg14[%swap3A_564], %sub3A_563 {strides = array<i32>} : memref<32xi32, #tpu.memory_space<vmem>>, vector<16xi32>,
    %mul3A_566 = arith.constant 16 : i32
    %mul3A_567 = arith.muli %add3A, %mul3A_566 : i32
    "tpu.region"() ({
      %run_scoped3A = tpu.sem_alloc : memref<!tpu.dma_semaphore, #tpu.memory_space<semaphore_mem>>
      %dma_start3A = arith.constant 0 : i32
      %dma_start3A_606 = tpu.memref_slice %arg14[%dma_start3A] : memref<32xi32, #tpu.memory_space<vmem>> -> memref<16xi32, #tpu.memory_space<vmem>>
      %dma_start3A_607 = tpu.memref_slice %arg4[%mul3A_567] : memref<512xi32, #tpu.memory_space<hbm>> -> memref<16xi32, #tpu.memory_space<hbm>>
      %dma_start3A_608 = tpu.memref_slice %arg4[%mul3A_567] : memref<512xi32, #tpu.memory_space<hbm>> -> memref<16xi32, #tpu.memory_space<hbm>>
      %dma_start3A_609 = arith.constant 0 : i32
      %dma_start3A_610 = tpu.memref_slice %arg14[%dma_start3A_609] : memref<32xi32, #tpu.memory_space<vmem>> -> memref<16xi32, #tpu.memory_space<vmem>>
      tpu.enqueue_dma source(%dma_start3A_610 : memref<16xi32, #tpu.memory_space<vmem>>) target(%dma_start3A_608 : memref<16xi32, #tpu.memory_space<hbm>>) target_semaphore(%run_scoped3A : memref<!tpu.dma_semaphore, #tpu.memory_space<semaphore_mem>>)
      %dma_wait3A = arith.constant 0 : i32
      %dma_wait3A_611 = tpu.memref_slice %arg14[%dma_wait3A] : memref<32xi32, #tpu.memory_space<vmem>> -> memref<16xi32, #tpu.memory_space<vmem>>
      %dma_wait3A_612 = tpu.memref_slice %arg4[%mul3A_567] : memref<512xi32, #tpu.memory_space<hbm>> -> memref<16xi32, #tpu.memory_space<hbm>>
      %dma_wait3A_613 = tpu.memref_slice %arg4[%mul3A_567] : memref<512xi32, #tpu.memory_space<hbm>> -> memref<16xi32, #tpu.memory_space<hbm>>
      %dma_wait3A_614 = arith.constant 0 : i32
      %dma_wait3A_615 = tpu.memref_slice %arg14[%dma_wait3A_614] : memref<32xi32, #tpu.memory_space<vmem>> -> memref<16xi32, #tpu.memory_space<vmem>>
      tpu.wait_dma2 semaphore(%run_scoped3A : memref<!tpu.dma_semaphore, #tpu.memory_space<semaphore_mem>>) src(%dma_wait3A_615 : memref<16xi32, #tpu.memory_space<vmem>>) dst(%dma_wait3A_613 : memref<16xi32, #tpu.memory_space<hbm>>)
      tpu.yield
    }) : () -> ()
    %mul3A_568 = arith.constant 16 : i32
    %mul3A_569 = arith.muli %add3A, %mul3A_568 : i32
    "tpu.region"() ({
      %run_scoped3A = tpu.sem_alloc : memref<!tpu.dma_semaphore, #tpu.memory_space<semaphore_mem>>
      %dma_start3A = arith.constant 16 : i32
      %dma_start3A_606 = tpu.memref_slice %arg14[%dma_start3A] : memref<32xi32, #tpu.memory_space<vmem>> -> memref<16xi32, #tpu.memory_space<vmem>>
      %dma_start3A_607 = tpu.memref_slice %arg5[%mul3A_569] : memref<512xi32, #tpu.memory_space<hbm>> -> memref<16xi32, #tpu.memory_space<hbm>>
      %dma_start3A_608 = tpu.memref_slice %arg5[%mul3A_569] : memref<512xi32, #tpu.memory_space<hbm>> -> memref<16xi32, #tpu.memory_space<hbm>>
      %dma_start3A_609 = arith.constant 16 : i32
      %dma_start3A_610 = tpu.memref_slice %arg14[%dma_start3A_609] : memref<32xi32, #tpu.memory_space<vmem>> -> memref<16xi32, #tpu.memory_space<vmem>>
      tpu.enqueue_dma source(%dma_start3A_610 : memref<16xi32, #tpu.memory_space<vmem>>) target(%dma_start3A_608 : memref<16xi32, #tpu.memory_space<hbm>>) target_semaphore(%run_scoped3A : memref<!tpu.dma_semaphore, #tpu.memory_space<semaphore_mem>>)
      %dma_wait3A = arith.constant 16 : i32
      %dma_wait3A_611 = tpu.memref_slice %arg14[%dma_wait3A] : memref<32xi32, #tpu.memory_space<vmem>> -> memref<16xi32, #tpu.memory_space<vmem>>
      %dma_wait3A_612 = tpu.memref_slice %arg5[%mul3A_569] : memref<512xi32, #tpu.memory_space<hbm>> -> memref<16xi32, #tpu.memory_space<hbm>>
      %dma_wait3A_613 = tpu.memref_slice %arg5[%mul3A_569] : memref<512xi32, #tpu.memory_space<hbm>> -> memref<16xi32, #tpu.memory_space<hbm>>
      %dma_wait3A_614 = arith.constant 16 : i32
      %dma_wait3A_615 = tpu.memref_slice %arg14[%dma_wait3A_614] : memref<32xi32, #tpu.memory_space<vmem>> -> memref<16xi32, #tpu.memory_space<vmem>>
      tpu.wait_dma2 semaphore(%run_scoped3A : memref<!tpu.dma_semaphore, #tpu.memory_space<semaphore_mem>>) src(%dma_wait3A_615 : memref<16xi32, #tpu.memory_space<vmem>>) dst(%dma_wait3A_613 : memref<16xi32, #tpu.memory_space<hbm>>)
      tpu.yield
    }) : () -> ()
    %jit3A_570 = arith.constant 128 : i32
    %div3A_571 = arith.divsi %mul3A_507, %jit3A_570 : i32
    %sign3A_572 = arith.constant 0 : i32
    %sign3A_573 = arith.cmpi sgt, %mul3A_507, %sign3A_572 : i32
    %sign3A_574 = arith.extui %sign3A_573 : i1 to i32
    %sign3A_575 = arith.constant 0 : i32
    %sign3A_576 = arith.cmpi slt, %mul3A_507, %sign3A_575 : i32
    %sign3A_577 = arith.extui %sign3A_576 : i1 to i32
    %sign3A_578 = arith.subi %sign3A_574, %sign3A_577 : i32
    %sign3A_579 = arith.constant 0 : i32
    %sign3A_580 = arith.cmpi sgt, %jit3A_570, %sign3A_579 : i32
    %sign3A_581 = arith.extui %sign3A_580 : i1 to i32
    %sign3A_582 = arith.constant 0 : i32
    %sign3A_583 = arith.cmpi slt, %jit3A_570, %sign3A_582 : i32
    %sign3A_584 = arith.extui %sign3A_583 : i1 to i32
    %sign3A_585 = arith.subi %sign3A_581, %sign3A_584 : i32
    %ne3A_586 = arith.cmpi ne, %sign3A_578, %sign3A_585 : i32
    %rem3A_587 = arith.remsi %mul3A_507, %jit3A_570 : i32
    %ne3A_588 = arith.constant 0 : i32
    %ne3A_589 = arith.cmpi ne, %rem3A_587, %ne3A_588 : i32
    %and3A_590 = arith.andi %ne3A_586, %ne3A_589 : i1
    %sub3A_591 = arith.constant 1 : i32
    %sub3A_592 = arith.subi %div3A_571, %sub3A_591 : i32
    %select_n3A_593 = arith.select %and3A_590, %sub3A_592, %div3A_571 : i32
    %while3A_594 = arith.constant 0 : i32
    %while3A_595 = arith.constant 0 : i32
    %while3A_596 = arith.subi %select_n3A_593, %while3A_594 : i32
    %while3A_597 = arith.addi %while3A_594, %while3A_596 : i32
    %while3A_598 = arith.constant 1 : i32
    %while3A_599 = arith.divsi %while3A_596, %while3A_598 : i32
    %while3A_600 = arith.muli %while3A_599, %while3A_598 : i32
    %while3A_601 = arith.addi %while3A_594, %while3A_600 : i32
    %while3A_602 = arith.constant 1 : i32
    %while3A_603 = scf.for %while3A_606 = %while3A_594 to %while3A_601 step %while3A_602 iter_args(%while3A_607 = %while3A_595) -> (i32)  : i32 {
      %mul3A_608 = arith.constant 128 : i32
      %mul3A_609 = arith.muli %while3A_606, %mul3A_608 : i32
      %add3A_610 = arith.constant 0 : i32
      %add3A_611 = arith.addi %mul3A_609, %add3A_610 : i32
      %get3A_612 = arith.index_cast %add3A_611 : i32 to index
      %get3A_613 = tpu.vector_load %arg11[%get3A_612] {strides = array<i32>} : memref<17696xi32, #tpu.memory_space<vmem>>, vector<16xi32>,
      %swap3A_614 = arith.constant 0 : index
      %swap3A_615 = tpu.vector_load %arg16[%swap3A_614] {strides = array<i32>} : memref<128xi32, #tpu.memory_space<vmem>>, vector<16xi32>,
      tpu.vector_store %arg16[%swap3A_614], %get3A_613 {strides = array<i32>} : memref<128xi32, #tpu.memory_space<vmem>>, vector<16xi32>,
      %get3A_616 = arith.index_cast %add3A_611 : i32 to index
      %get3A_617 = tpu.vector_load %arg12[%get3A_616] {strides = array<i32>} : memref<17696xi32, #tpu.memory_space<vmem>>, vector<16xi32>,
      %swap3A_618 = arith.constant 0 : index
      %swap3A_619 = tpu.vector_load %arg15[%swap3A_618] {strides = array<i32>} : memref<128xi32, #tpu.memory_space<vmem>>, vector<16xi32>,
      tpu.vector_store %arg15[%swap3A_618], %get3A_617 {strides = array<i32>} : memref<128xi32, #tpu.memory_space<vmem>>, vector<16xi32>,
      %add3A_620 = arith.constant 16 : i32
      %add3A_621 = arith.addi %mul3A_609, %add3A_620 : i32
      %get3A_622 = arith.index_cast %add3A_621 : i32 to index
      %get3A_623 = tpu.vector_load %arg11[%get3A_622] {strides = array<i32>} : memref<17696xi32, #tpu.memory_space<vmem>>, vector<16xi32>,
      %swap3A_624 = arith.constant 16 : index
      %swap3A_625 = tpu.vector_load %arg16[%swap3A_624] {strides = array<i32>} : memref<128xi32, #tpu.memory_space<vmem>>, vector<16xi32>,
      tpu.vector_store %arg16[%swap3A_624], %get3A_623 {strides = array<i32>} : memref<128xi32, #tpu.memory_space<vmem>>, vector<16xi32>,
      %get3A_626 = arith.index_cast %add3A_621 : i32 to index
      %get3A_627 = tpu.vector_load %arg12[%get3A_626] {strides = array<i32>} : memref<17696xi32, #tpu.memory_space<vmem>>, vector<16xi32>,
      %swap3A_628 = arith.constant 16 : index
      %swap3A_629 = tpu.vector_load %arg15[%swap3A_628] {strides = array<i32>} : memref<128xi32, #tpu.memory_space<vmem>>, vector<16xi32>,
      tpu.vector_store %arg15[%swap3A_628], %get3A_627 {strides = array<i32>} : memref<128xi32, #tpu.memory_space<vmem>>, vector<16xi32>,
      %add3A_630 = arith.constant 32 : i32
      %add3A_631 = arith.addi %mul3A_609, %add3A_630 : i32
      %get3A_632 = arith.index_cast %add3A_631 : i32 to index
      %get3A_633 = tpu.vector_load %arg11[%get3A_632] {strides = array<i32>} : memref<17696xi32, #tpu.memory_space<vmem>>, vector<16xi32>,
      %swap3A_634 = arith.constant 32 : index
      %swap3A_635 = tpu.vector_load %arg16[%swap3A_634] {strides = array<i32>} : memref<128xi32, #tpu.memory_space<vmem>>, vector<16xi32>,
      tpu.vector_store %arg16[%swap3A_634], %get3A_633 {strides = array<i32>} : memref<128xi32, #tpu.memory_space<vmem>>, vector<16xi32>,
      %get3A_636 = arith.index_cast %add3A_631 : i32 to index
      %get3A_637 = tpu.vector_load %arg12[%get3A_636] {strides = array<i32>} : memref<17696xi32, #tpu.memory_space<vmem>>, vector<16xi32>,
      %swap3A_638 = arith.constant 32 : index
      %swap3A_639 = tpu.vector_load %arg15[%swap3A_638] {strides = array<i32>} : memref<128xi32, #tpu.memory_space<vmem>>, vector<16xi32>,
      tpu.vector_store %arg15[%swap3A_638], %get3A_637 {strides = array<i32>} : memref<128xi32, #tpu.memory_space<vmem>>, vector<16xi32>,
      %add3A_640 = arith.constant 48 : i32
      %add3A_641 = arith.addi %mul3A_609, %add3A_640 : i32
      %get3A_642 = arith.index_cast %add3A_641 : i32 to index
      %get3A_643 = tpu.vector_load %arg11[%get3A_642] {strides = array<i32>} : memref<17696xi32, #tpu.memory_space<vmem>>, vector<16xi32>,
      %swap3A_644 = arith.constant 48 : index
      %swap3A_645 = tpu.vector_load %arg16[%swap3A_644] {strides = array<i32>} : memref<128xi32, #tpu.memory_space<vmem>>, vector<16xi32>,
      tpu.vector_store %arg16[%swap3A_644], %get3A_643 {strides = array<i32>} : memref<128xi32, #tpu.memory_space<vmem>>, vector<16xi32>,
      %get3A_646 = arith.index_cast %add3A_641 : i32 to index
      %get3A_647 = tpu.vector_load %arg12[%get3A_646] {strides = array<i32>} : memref<17696xi32, #tpu.memory_space<vmem>>, vector<16xi32>,
      %swap3A_648 = arith.constant 48 : index
      %swap3A_649 = tpu.vector_load %arg15[%swap3A_648] {strides = array<i32>} : memref<128xi32, #tpu.memory_space<vmem>>, vector<16xi32>,
      tpu.vector_store %arg15[%swap3A_648], %get3A_647 {strides = array<i32>} : memref<128xi32, #tpu.memory_space<vmem>>, vector<16xi32>,
      %add3A_650 = arith.constant 64 : i32
      %add3A_651 = arith.addi %mul3A_609, %add3A_650 : i32
      %get3A_652 = arith.index_cast %add3A_651 : i32 to index
      %get3A_653 = tpu.vector_load %arg11[%get3A_652] {strides = array<i32>} : memref<17696xi32, #tpu.memory_space<vmem>>, vector<16xi32>,
      %swap3A_654 = arith.constant 64 : index
      %swap3A_655 = tpu.vector_load %arg16[%swap3A_654] {strides = array<i32>} : memref<128xi32, #tpu.memory_space<vmem>>, vector<16xi32>,
      tpu.vector_store %arg16[%swap3A_654], %get3A_653 {strides = array<i32>} : memref<128xi32, #tpu.memory_space<vmem>>, vector<16xi32>,
      %get3A_656 = arith.index_cast %add3A_651 : i32 to index
      %get3A_657 = tpu.vector_load %arg12[%get3A_656] {strides = array<i32>} : memref<17696xi32, #tpu.memory_space<vmem>>, vector<16xi32>,
      %swap3A_658 = arith.constant 64 : index
      %swap3A_659 = tpu.vector_load %arg15[%swap3A_658] {strides = array<i32>} : memref<128xi32, #tpu.memory_space<vmem>>, vector<16xi32>,
      tpu.vector_store %arg15[%swap3A_658], %get3A_657 {strides = array<i32>} : memref<128xi32, #tpu.memory_space<vmem>>, vector<16xi32>,
      %add3A_660 = arith.constant 80 : i32
      %add3A_661 = arith.addi %mul3A_609, %add3A_660 : i32
      %get3A_662 = arith.index_cast %add3A_661 : i32 to index
      %get3A_663 = tpu.vector_load %arg11[%get3A_662] {strides = array<i32>} : memref<17696xi32, #tpu.memory_space<vmem>>, vector<16xi32>,
      %swap3A_664 = arith.constant 80 : index
      %swap3A_665 = tpu.vector_load %arg16[%swap3A_664] {strides = array<i32>} : memref<128xi32, #tpu.memory_space<vmem>>, vector<16xi32>,
      tpu.vector_store %arg16[%swap3A_664], %get3A_663 {strides = array<i32>} : memref<128xi32, #tpu.memory_space<vmem>>, vector<16xi32>,
      %get3A_666 = arith.index_cast %add3A_661 : i32 to index
      %get3A_667 = tpu.vector_load %arg12[%get3A_666] {strides = array<i32>} : memref<17696xi32, #tpu.memory_space<vmem>>, vector<16xi32>,
      %swap3A_668 = arith.constant 80 : index
      %swap3A_669 = tpu.vector_load %arg15[%swap3A_668] {strides = array<i32>} : memref<128xi32, #tpu.memory_space<vmem>>, vector<16xi32>,
      tpu.vector_store %arg15[%swap3A_668], %get3A_667 {strides = array<i32>} : memref<128xi32, #tpu.memory_space<vmem>>, vector<16xi32>,
      %add3A_670 = arith.constant 96 : i32
      %add3A_671 = arith.addi %mul3A_609, %add3A_670 : i32
      %get3A_672 = arith.index_cast %add3A_671 : i32 to index
      %get3A_673 = tpu.vector_load %arg11[%get3A_672] {strides = array<i32>} : memref<17696xi32, #tpu.memory_space<vmem>>, vector<16xi32>,
      %swap3A_674 = arith.constant 96 : index
      %swap3A_675 = tpu.vector_load %arg16[%swap3A_674] {strides = array<i32>} : memref<128xi32, #tpu.memory_space<vmem>>, vector<16xi32>,
      tpu.vector_store %arg16[%swap3A_674], %get3A_673 {strides = array<i32>} : memref<128xi32, #tpu.memory_space<vmem>>, vector<16xi32>,
      %get3A_676 = arith.index_cast %add3A_671 : i32 to index
      %get3A_677 = tpu.vector_load %arg12[%get3A_676] {strides = array<i32>} : memref<17696xi32, #tpu.memory_space<vmem>>, vector<16xi32>,
      %swap3A_678 = arith.constant 96 : index
      %swap3A_679 = tpu.vector_load %arg15[%swap3A_678] {strides = array<i32>} : memref<128xi32, #tpu.memory_space<vmem>>, vector<16xi32>,
      tpu.vector_store %arg15[%swap3A_678], %get3A_677 {strides = array<i32>} : memref<128xi32, #tpu.memory_space<vmem>>, vector<16xi32>,
      %add3A_680 = arith.constant 112 : i32
      %add3A_681 = arith.addi %mul3A_609, %add3A_680 : i32
      %get3A_682 = arith.index_cast %add3A_681 : i32 to index
      %get3A_683 = tpu.vector_load %arg11[%get3A_682] {strides = array<i32>} : memref<17696xi32, #tpu.memory_space<vmem>>, vector<16xi32>,
      %swap3A_684 = arith.constant 112 : index
      %swap3A_685 = tpu.vector_load %arg16[%swap3A_684] {strides = array<i32>} : memref<128xi32, #tpu.memory_space<vmem>>, vector<16xi32>,
      tpu.vector_store %arg16[%swap3A_684], %get3A_683 {strides = array<i32>} : memref<128xi32, #tpu.memory_space<vmem>>, vector<16xi32>,
      %get3A_686 = arith.index_cast %add3A_681 : i32 to index
      %get3A_687 = tpu.vector_load %arg12[%get3A_686] {strides = array<i32>} : memref<17696xi32, #tpu.memory_space<vmem>>, vector<16xi32>,
      %swap3A_688 = arith.constant 112 : index
      %swap3A_689 = tpu.vector_load %arg15[%swap3A_688] {strides = array<i32>} : memref<128xi32, #tpu.memory_space<vmem>>, vector<16xi32>,
      tpu.vector_store %arg15[%swap3A_688], %get3A_687 {strides = array<i32>} : memref<128xi32, #tpu.memory_space<vmem>>, vector<16xi32>,
      %dma_start3A = arith.constant 0 : i32
      %dma_start3A_690 = arith.constant 0 : i32
      %dma_start3A_691 = tpu.memref_slice %arg3[%dma_start3A, %dma_start3A_690] : memref<16384x64xf32, #tpu.memory_space<hbm>> -> memref<16384x64xf32, #tpu.memory_space<hbm>>
      tpu.enqueue_indirect_dma source(%dma_start3A_691 : memref<16384x64xf32, #tpu.memory_space<hbm>>) target(%arg17 : memref<128x64xf32, #tpu.memory_space<vmem>>) offsets(%arg15 : memref<128xi32, #tpu.memory_space<vmem>>) semaphore(%arg18 : memref<!tpu.dma_semaphore, #tpu.memory_space<semaphore_mem>>)
      %dma_wait3A = arith.constant 0 : i32
      %dma_wait3A_692 = arith.constant 0 : i32
      %dma_wait3A_693 = tpu.memref_slice %arg3[%dma_wait3A, %dma_wait3A_692] : memref<16384x64xf32, #tpu.memory_space<hbm>> -> memref<16384x64xf32, #tpu.memory_space<hbm>>
      tpu.wait_indirect_dma semaphore(%arg18 : memref<!tpu.dma_semaphore, #tpu.memory_space<semaphore_mem>>) src(%dma_wait3A_693 : memref<16384x64xf32, #tpu.memory_space<hbm>>) dst(%arg17 : memref<128x64xf32, #tpu.memory_space<vmem>>)
      %mul3A_694 = arith.constant 17664 : i32
      %mul3A_695 = arith.muli %add3A, %mul3A_694 : i32
      %add3A_696 = arith.addi %mul3A_695, %mul3A_609 : i32
      "tpu.region"() ({
        %run_scoped3A = tpu.sem_alloc : memref<!tpu.dma_semaphore, #tpu.memory_space<semaphore_mem>>
        %dma_start3A_701 = tpu.memref_slice %arg6[%add3A_696] : memref<565248xi32, #tpu.memory_space<hbm>> -> memref<128xi32, #tpu.memory_space<hbm>>
        %dma_start3A_702 = tpu.memref_slice %arg6[%add3A_696] : memref<565248xi32, #tpu.memory_space<hbm>> -> memref<128xi32, #tpu.memory_space<hbm>>
        tpu.enqueue_dma source(%arg16 : memref<128xi32, #tpu.memory_space<vmem>>) target(%dma_start3A_702 : memref<128xi32, #tpu.memory_space<hbm>>) target_semaphore(%run_scoped3A : memref<!tpu.dma_semaphore, #tpu.memory_space<semaphore_mem>>)
        %dma_wait3A_703 = tpu.memref_slice %arg6[%add3A_696] : memref<565248xi32, #tpu.memory_space<hbm>> -> memref<128xi32, #tpu.memory_space<hbm>>
        %dma_wait3A_704 = tpu.memref_slice %arg6[%add3A_696] : memref<565248xi32, #tpu.memory_space<hbm>> -> memref<128xi32, #tpu.memory_space<hbm>>
        tpu.wait_dma2 semaphore(%run_scoped3A : memref<!tpu.dma_semaphore, #tpu.memory_space<semaphore_mem>>) src(%arg16 : memref<128xi32, #tpu.memory_space<vmem>>) dst(%dma_wait3A_704 : memref<128xi32, #tpu.memory_space<hbm>>)
        tpu.yield
      }) : () -> ()
      %mul3A_697 = arith.constant 17664 : i32
      %mul3A_698 = arith.muli %add3A, %mul3A_697 : i32
      %add3A_699 = arith.addi %mul3A_698, %mul3A_609 : i32
      "tpu.region"() ({
        %run_scoped3A = tpu.sem_alloc : memref<!tpu.dma_semaphore, #tpu.memory_space<semaphore_mem>>
        %dma_start3A_701 = arith.constant 0 : i32
        %dma_start3A_702 = tpu.memref_slice %arg7[%add3A_699, %dma_start3A_701] : memref<565248x64xf32, #tpu.memory_space<hbm>> -> memref<128x64xf32, #tpu.memory_space<hbm>>
        %dma_start3A_703 = arith.constant 0 : i32
        %dma_start3A_704 = tpu.memref_slice %arg7[%add3A_699, %dma_start3A_703] : memref<565248x64xf32, #tpu.memory_space<hbm>> -> memref<128x64xf32, #tpu.memory_space<hbm>>
        tpu.enqueue_dma source(%arg17 : memref<128x64xf32, #tpu.memory_space<vmem>>) target(%dma_start3A_704 : memref<128x64xf32, #tpu.memory_space<hbm>>) target_semaphore(%run_scoped3A : memref<!tpu.dma_semaphore, #tpu.memory_space<semaphore_mem>>)
        %dma_wait3A_705 = arith.constant 0 : i32
        %dma_wait3A_706 = tpu.memref_slice %arg7[%add3A_699, %dma_wait3A_705] : memref<565248x64xf32, #tpu.memory_space<hbm>> -> memref<128x64xf32, #tpu.memory_space<hbm>>
        %dma_wait3A_707 = arith.constant 0 : i32
        %dma_wait3A_708 = tpu.memref_slice %arg7[%add3A_699, %dma_wait3A_707] : memref<565248x64xf32, #tpu.memory_space<hbm>> -> memref<128x64xf32, #tpu.memory_space<hbm>>
        tpu.wait_dma2 semaphore(%run_scoped3A : memref<!tpu.dma_semaphore, #tpu.memory_space<semaphore_mem>>) src(%arg17 : memref<128x64xf32, #tpu.memory_space<vmem>>) dst(%dma_wait3A_708 : memref<128x64xf32, #tpu.memory_space<hbm>>)
        tpu.yield
      }) : () -> ()
      %while3A_700 = arith.constant 0 : i32
      scf.yield %while3A_700 : i32
    }
    %while3A_604 = arith.constant 1 : i32
    %while3A_605 = scf.for %while3A_606 = %while3A_601 to %while3A_597 step %while3A_604 iter_args(%while3A_607 = %while3A_603) -> (i32)  : i32 {
      %mul3A_608 = arith.constant 128 : i32
      %mul3A_609 = arith.muli %while3A_606, %mul3A_608 : i32
      %add3A_610 = arith.constant 0 : i32
      %add3A_611 = arith.addi %mul3A_609, %add3A_610 : i32
      %get3A_612 = arith.index_cast %add3A_611 : i32 to index
      %get3A_613 = tpu.vector_load %arg11[%get3A_612] {strides = array<i32>} : memref<17696xi32, #tpu.memory_space<vmem>>, vector<16xi32>,
      %swap3A_614 = arith.constant 0 : index
      %swap3A_615 = tpu.vector_load %arg16[%swap3A_614] {strides = array<i32>} : memref<128xi32, #tpu.memory_space<vmem>>, vector<16xi32>,
      tpu.vector_store %arg16[%swap3A_614], %get3A_613 {strides = array<i32>} : memref<128xi32, #tpu.memory_space<vmem>>, vector<16xi32>,
      %get3A_616 = arith.index_cast %add3A_611 : i32 to index
      %get3A_617 = tpu.vector_load %arg12[%get3A_616] {strides = array<i32>} : memref<17696xi32, #tpu.memory_space<vmem>>, vector<16xi32>,
      %swap3A_618 = arith.constant 0 : index
      %swap3A_619 = tpu.vector_load %arg15[%swap3A_618] {strides = array<i32>} : memref<128xi32, #tpu.memory_space<vmem>>, vector<16xi32>,
      tpu.vector_store %arg15[%swap3A_618], %get3A_617 {strides = array<i32>} : memref<128xi32, #tpu.memory_space<vmem>>, vector<16xi32>,
      %add3A_620 = arith.constant 16 : i32
      %add3A_621 = arith.addi %mul3A_609, %add3A_620 : i32
      %get3A_622 = arith.index_cast %add3A_621 : i32 to index
      %get3A_623 = tpu.vector_load %arg11[%get3A_622] {strides = array<i32>} : memref<17696xi32, #tpu.memory_space<vmem>>, vector<16xi32>,
      %swap3A_624 = arith.constant 16 : index
      %swap3A_625 = tpu.vector_load %arg16[%swap3A_624] {strides = array<i32>} : memref<128xi32, #tpu.memory_space<vmem>>, vector<16xi32>,
      tpu.vector_store %arg16[%swap3A_624], %get3A_623 {strides = array<i32>} : memref<128xi32, #tpu.memory_space<vmem>>, vector<16xi32>,
      %get3A_626 = arith.index_cast %add3A_621 : i32 to index
      %get3A_627 = tpu.vector_load %arg12[%get3A_626] {strides = array<i32>} : memref<17696xi32, #tpu.memory_space<vmem>>, vector<16xi32>,
      %swap3A_628 = arith.constant 16 : index
      %swap3A_629 = tpu.vector_load %arg15[%swap3A_628] {strides = array<i32>} : memref<128xi32, #tpu.memory_space<vmem>>, vector<16xi32>,
      tpu.vector_store %arg15[%swap3A_628], %get3A_627 {strides = array<i32>} : memref<128xi32, #tpu.memory_space<vmem>>, vector<16xi32>,
      %add3A_630 = arith.constant 32 : i32
      %add3A_631 = arith.addi %mul3A_609, %add3A_630 : i32
      %get3A_632 = arith.index_cast %add3A_631 : i32 to index
      %get3A_633 = tpu.vector_load %arg11[%get3A_632] {strides = array<i32>} : memref<17696xi32, #tpu.memory_space<vmem>>, vector<16xi32>,
      %swap3A_634 = arith.constant 32 : index
      %swap3A_635 = tpu.vector_load %arg16[%swap3A_634] {strides = array<i32>} : memref<128xi32, #tpu.memory_space<vmem>>, vector<16xi32>,
      tpu.vector_store %arg16[%swap3A_634], %get3A_633 {strides = array<i32>} : memref<128xi32, #tpu.memory_space<vmem>>, vector<16xi32>,
      %get3A_636 = arith.index_cast %add3A_631 : i32 to index
      %get3A_637 = tpu.vector_load %arg12[%get3A_636] {strides = array<i32>} : memref<17696xi32, #tpu.memory_space<vmem>>, vector<16xi32>,
      %swap3A_638 = arith.constant 32 : index
      %swap3A_639 = tpu.vector_load %arg15[%swap3A_638] {strides = array<i32>} : memref<128xi32, #tpu.memory_space<vmem>>, vector<16xi32>,
      tpu.vector_store %arg15[%swap3A_638], %get3A_637 {strides = array<i32>} : memref<128xi32, #tpu.memory_space<vmem>>, vector<16xi32>,
      %add3A_640 = arith.constant 48 : i32
      %add3A_641 = arith.addi %mul3A_609, %add3A_640 : i32
      %get3A_642 = arith.index_cast %add3A_641 : i32 to index
      %get3A_643 = tpu.vector_load %arg11[%get3A_642] {strides = array<i32>} : memref<17696xi32, #tpu.memory_space<vmem>>, vector<16xi32>,
      %swap3A_644 = arith.constant 48 : index
      %swap3A_645 = tpu.vector_load %arg16[%swap3A_644] {strides = array<i32>} : memref<128xi32, #tpu.memory_space<vmem>>, vector<16xi32>,
      tpu.vector_store %arg16[%swap3A_644], %get3A_643 {strides = array<i32>} : memref<128xi32, #tpu.memory_space<vmem>>, vector<16xi32>,
      %get3A_646 = arith.index_cast %add3A_641 : i32 to index
      %get3A_647 = tpu.vector_load %arg12[%get3A_646] {strides = array<i32>} : memref<17696xi32, #tpu.memory_space<vmem>>, vector<16xi32>,
      %swap3A_648 = arith.constant 48 : index
      %swap3A_649 = tpu.vector_load %arg15[%swap3A_648] {strides = array<i32>} : memref<128xi32, #tpu.memory_space<vmem>>, vector<16xi32>,
      tpu.vector_store %arg15[%swap3A_648], %get3A_647 {strides = array<i32>} : memref<128xi32, #tpu.memory_space<vmem>>, vector<16xi32>,
      %add3A_650 = arith.constant 64 : i32
      %add3A_651 = arith.addi %mul3A_609, %add3A_650 : i32
      %get3A_652 = arith.index_cast %add3A_651 : i32 to index
      %get3A_653 = tpu.vector_load %arg11[%get3A_652] {strides = array<i32>} : memref<17696xi32, #tpu.memory_space<vmem>>, vector<16xi32>,
      %swap3A_654 = arith.constant 64 : index
      %swap3A_655 = tpu.vector_load %arg16[%swap3A_654] {strides = array<i32>} : memref<128xi32, #tpu.memory_space<vmem>>, vector<16xi32>,
      tpu.vector_store %arg16[%swap3A_654], %get3A_653 {strides = array<i32>} : memref<128xi32, #tpu.memory_space<vmem>>, vector<16xi32>,
      %get3A_656 = arith.index_cast %add3A_651 : i32 to index
      %get3A_657 = tpu.vector_load %arg12[%get3A_656] {strides = array<i32>} : memref<17696xi32, #tpu.memory_space<vmem>>, vector<16xi32>,
      %swap3A_658 = arith.constant 64 : index
      %swap3A_659 = tpu.vector_load %arg15[%swap3A_658] {strides = array<i32>} : memref<128xi32, #tpu.memory_space<vmem>>, vector<16xi32>,
      tpu.vector_store %arg15[%swap3A_658], %get3A_657 {strides = array<i32>} : memref<128xi32, #tpu.memory_space<vmem>>, vector<16xi32>,
      %add3A_660 = arith.constant 80 : i32
      %add3A_661 = arith.addi %mul3A_609, %add3A_660 : i32
      %get3A_662 = arith.index_cast %add3A_661 : i32 to index
      %get3A_663 = tpu.vector_load %arg11[%get3A_662] {strides = array<i32>} : memref<17696xi32, #tpu.memory_space<vmem>>, vector<16xi32>,
      %swap3A_664 = arith.constant 80 : index
      %swap3A_665 = tpu.vector_load %arg16[%swap3A_664] {strides = array<i32>} : memref<128xi32, #tpu.memory_space<vmem>>, vector<16xi32>,
      tpu.vector_store %arg16[%swap3A_664], %get3A_663 {strides = array<i32>} : memref<128xi32, #tpu.memory_space<vmem>>, vector<16xi32>,
      %get3A_666 = arith.index_cast %add3A_661 : i32 to index
      %get3A_667 = tpu.vector_load %arg12[%get3A_666] {strides = array<i32>} : memref<17696xi32, #tpu.memory_space<vmem>>, vector<16xi32>,
      %swap3A_668 = arith.constant 80 : index
      %swap3A_669 = tpu.vector_load %arg15[%swap3A_668] {strides = array<i32>} : memref<128xi32, #tpu.memory_space<vmem>>, vector<16xi32>,
      tpu.vector_store %arg15[%swap3A_668], %get3A_667 {strides = array<i32>} : memref<128xi32, #tpu.memory_space<vmem>>, vector<16xi32>,
      %add3A_670 = arith.constant 96 : i32
      %add3A_671 = arith.addi %mul3A_609, %add3A_670 : i32
      %get3A_672 = arith.index_cast %add3A_671 : i32 to index
      %get3A_673 = tpu.vector_load %arg11[%get3A_672] {strides = array<i32>} : memref<17696xi32, #tpu.memory_space<vmem>>, vector<16xi32>,
      %swap3A_674 = arith.constant 96 : index
      %swap3A_675 = tpu.vector_load %arg16[%swap3A_674] {strides = array<i32>} : memref<128xi32, #tpu.memory_space<vmem>>, vector<16xi32>,
      tpu.vector_store %arg16[%swap3A_674], %get3A_673 {strides = array<i32>} : memref<128xi32, #tpu.memory_space<vmem>>, vector<16xi32>,
      %get3A_676 = arith.index_cast %add3A_671 : i32 to index
      %get3A_677 = tpu.vector_load %arg12[%get3A_676] {strides = array<i32>} : memref<17696xi32, #tpu.memory_space<vmem>>, vector<16xi32>,
      %swap3A_678 = arith.constant 96 : index
      %swap3A_679 = tpu.vector_load %arg15[%swap3A_678] {strides = array<i32>} : memref<128xi32, #tpu.memory_space<vmem>>, vector<16xi32>,
      tpu.vector_store %arg15[%swap3A_678], %get3A_677 {strides = array<i32>} : memref<128xi32, #tpu.memory_space<vmem>>, vector<16xi32>,
      %add3A_680 = arith.constant 112 : i32
      %add3A_681 = arith.addi %mul3A_609, %add3A_680 : i32
      %get3A_682 = arith.index_cast %add3A_681 : i32 to index
      %get3A_683 = tpu.vector_load %arg11[%get3A_682] {strides = array<i32>} : memref<17696xi32, #tpu.memory_space<vmem>>, vector<16xi32>,
      %swap3A_684 = arith.constant 112 : index
      %swap3A_685 = tpu.vector_load %arg16[%swap3A_684] {strides = array<i32>} : memref<128xi32, #tpu.memory_space<vmem>>, vector<16xi32>,
      tpu.vector_store %arg16[%swap3A_684], %get3A_683 {strides = array<i32>} : memref<128xi32, #tpu.memory_space<vmem>>, vector<16xi32>,
      %get3A_686 = arith.index_cast %add3A_681 : i32 to index
      %get3A_687 = tpu.vector_load %arg12[%get3A_686] {strides = array<i32>} : memref<17696xi32, #tpu.memory_space<vmem>>, vector<16xi32>,
      %swap3A_688 = arith.constant 112 : index
      %swap3A_689 = tpu.vector_load %arg15[%swap3A_688] {strides = array<i32>} : memref<128xi32, #tpu.memory_space<vmem>>, vector<16xi32>,
      tpu.vector_store %arg15[%swap3A_688], %get3A_687 {strides = array<i32>} : memref<128xi32, #tpu.memory_space<vmem>>, vector<16xi32>,
      %dma_start3A = arith.constant 0 : i32
      %dma_start3A_690 = arith.constant 0 : i32
      %dma_start3A_691 = tpu.memref_slice %arg3[%dma_start3A, %dma_start3A_690] : memref<16384x64xf32, #tpu.memory_space<hbm>> -> memref<16384x64xf32, #tpu.memory_space<hbm>>
      tpu.enqueue_indirect_dma source(%dma_start3A_691 : memref<16384x64xf32, #tpu.memory_space<hbm>>) target(%arg17 : memref<128x64xf32, #tpu.memory_space<vmem>>) offsets(%arg15 : memref<128xi32, #tpu.memory_space<vmem>>) semaphore(%arg18 : memref<!tpu.dma_semaphore, #tpu.memory_space<semaphore_mem>>)
      %dma_wait3A = arith.constant 0 : i32
      %dma_wait3A_692 = arith.constant 0 : i32
      %dma_wait3A_693 = tpu.memref_slice %arg3[%dma_wait3A, %dma_wait3A_692] : memref<16384x64xf32, #tpu.memory_space<hbm>> -> memref<16384x64xf32, #tpu.memory_space<hbm>>
      tpu.wait_indirect_dma semaphore(%arg18 : memref<!tpu.dma_semaphore, #tpu.memory_space<semaphore_mem>>) src(%dma_wait3A_693 : memref<16384x64xf32, #tpu.memory_space<hbm>>) dst(%arg17 : memref<128x64xf32, #tpu.memory_space<vmem>>)
      %mul3A_694 = arith.constant 17664 : i32
      %mul3A_695 = arith.muli %add3A, %mul3A_694 : i32
      %add3A_696 = arith.addi %mul3A_695, %mul3A_609 : i32
      "tpu.region"() ({
        %run_scoped3A = tpu.sem_alloc : memref<!tpu.dma_semaphore, #tpu.memory_space<semaphore_mem>>
        %dma_start3A_701 = tpu.memref_slice %arg6[%add3A_696] : memref<565248xi32, #tpu.memory_space<hbm>> -> memref<128xi32, #tpu.memory_space<hbm>>
        %dma_start3A_702 = tpu.memref_slice %arg6[%add3A_696] : memref<565248xi32, #tpu.memory_space<hbm>> -> memref<128xi32, #tpu.memory_space<hbm>>
        tpu.enqueue_dma source(%arg16 : memref<128xi32, #tpu.memory_space<vmem>>) target(%dma_start3A_702 : memref<128xi32, #tpu.memory_space<hbm>>) target_semaphore(%run_scoped3A : memref<!tpu.dma_semaphore, #tpu.memory_space<semaphore_mem>>)
        %dma_wait3A_703 = tpu.memref_slice %arg6[%add3A_696] : memref<565248xi32, #tpu.memory_space<hbm>> -> memref<128xi32, #tpu.memory_space<hbm>>
        %dma_wait3A_704 = tpu.memref_slice %arg6[%add3A_696] : memref<565248xi32, #tpu.memory_space<hbm>> -> memref<128xi32, #tpu.memory_space<hbm>>
        tpu.wait_dma2 semaphore(%run_scoped3A : memref<!tpu.dma_semaphore, #tpu.memory_space<semaphore_mem>>) src(%arg16 : memref<128xi32, #tpu.memory_space<vmem>>) dst(%dma_wait3A_704 : memref<128xi32, #tpu.memory_space<hbm>>)
        tpu.yield
      }) : () -> ()
      %mul3A_697 = arith.constant 17664 : i32
      %mul3A_698 = arith.muli %add3A, %mul3A_697 : i32
      %add3A_699 = arith.addi %mul3A_698, %mul3A_609 : i32
      "tpu.region"() ({
        %run_scoped3A = tpu.sem_alloc : memref<!tpu.dma_semaphore, #tpu.memory_space<semaphore_mem>>
        %dma_start3A_701 = arith.constant 0 : i32
        %dma_start3A_702 = tpu.memref_slice %arg7[%add3A_699, %dma_start3A_701] : memref<565248x64xf32, #tpu.memory_space<hbm>> -> memref<128x64xf32, #tpu.memory_space<hbm>>
        %dma_start3A_703 = arith.constant 0 : i32
        %dma_start3A_704 = tpu.memref_slice %arg7[%add3A_699, %dma_start3A_703] : memref<565248x64xf32, #tpu.memory_space<hbm>> -> memref<128x64xf32, #tpu.memory_space<hbm>>
        tpu.enqueue_dma source(%arg17 : memref<128x64xf32, #tpu.memory_space<vmem>>) target(%dma_start3A_704 : memref<128x64xf32, #tpu.memory_space<hbm>>) target_semaphore(%run_scoped3A : memref<!tpu.dma_semaphore, #tpu.memory_space<semaphore_mem>>)
        %dma_wait3A_705 = arith.constant 0 : i32
        %dma_wait3A_706 = tpu.memref_slice %arg7[%add3A_699, %dma_wait3A_705] : memref<565248x64xf32, #tpu.memory_space<hbm>> -> memref<128x64xf32, #tpu.memory_space<hbm>>
        %dma_wait3A_707 = arith.constant 0 : i32
        %dma_wait3A_708 = tpu.memref_slice %arg7[%add3A_699, %dma_wait3A_707] : memref<565248x64xf32, #tpu.memory_space<hbm>> -> memref<128x64xf32, #tpu.memory_space<hbm>>
        tpu.wait_dma2 semaphore(%run_scoped3A : memref<!tpu.dma_semaphore, #tpu.memory_space<semaphore_mem>>) src(%arg17 : memref<128x64xf32, #tpu.memory_space<vmem>>) dst(%dma_wait3A_708 : memref<128x64xf32, #tpu.memory_space<hbm>>)
        tpu.yield
      }) : () -> ()
      %while3A_700 = arith.constant 0 : i32
      scf.yield %while3A_700 : i32
    }
    return
  }
}

</mosaic_0001>

<sc_bundles>
// kernel: _sc_stage.3.cloned.1.call-start
scs
__scs_entry_jumppad:
0x0: {  	(pc) =	sbr.rel $0x88, $3  }
0x1: {  	(tag) =	ssettag $0x0;
	lr =	simm.s32 $0x1  }
0x2: {  	[smem:$0x3F9F] =	sst lr;
	_ =	strace $0xD0000000  }
0x3: {  	_ = 	snop  }
0x4: {  	_ = 	snop  }
0x5: {  	_ = 	snop  }
0x6: {  	_ = 	snop  }
0x7: {  	_ = 	snop  }
__scs_overlays_trampoline_lowered:
0x8: {  	[smem:$0x3FAE] =	sst s0  }
0x9: {  	[smem:$0x3FAF] =	sst s1  }
0xa: {  	[smem:$0x3FB0] =	sst s2  }
0xb: {  	[smem:$0x3FB1] =	sst s3  }
0xc: {  	[smem:$0x3FB2] =	sst s4  }
0xd: {  	[smem:$0x3FB3] =	sst s5  }
0xe: {  	[smem:$0x3FB4] =	sst s6  }
0xf: {  	[smem:$0x3FB5] =	sst s7  }
0x10: {  	[smem:$0x3FB6] =	sst s8  }
0x11: {  	[smem:$0x3FB7] =	sst s9;
	s0 =	simm.s32 @!p0 $0x0  }
0x12: {  	s1 =	sld [smem:$0x3F9D];
	s0 =	simm.s32 @p0 $0x1  }
0x13: {  	[smem:$0x3FB8] =	sst s0;
	s0 =	simm.s32 @!p1 $0x0  }
0x14: {  	s2 =	sld [smem:$0x3F9C];
	s0 =	simm.s32 @p1 $0x1  }
0x15: {  	[smem:$0x3FB9] =	sst s0;
	s0 =	simm.s32 @!p2 $0x0  }
0x16: {  	s3 =	sld [smem:$0x3FDB];
	s0 =	simm.s32 @p2 $0x1  }
0x17: {  	s4 =	simm.s32 $0x1BF5;
	[smem:$0x3FBB] =	sst s0  }
0x18: {  	s0 =	sld [smem:$0x3F9E];
	_ =	swait.ge [sflag:s4], $0x0  }
0x19: {  	s7 =	sld [smem:$0x3F9F]  }
0x1a: {  	s8 =	sadd.s32 $0xFFFFE003, lr  }
0x1b: {  	s9 =	sadd.s32 $0xFFFFFEF7, lr;
	s5 =	simm.s32 $0xFFFFFFFF;
	p2 =	slt.u32 s8, $0xFFFFF086  }
0x1c: {  	p1 =	slt.u32 s9, $0xF7A;
	s5 =	simm.s32 @!p2 $0x0  }
0x1d: {  	s5 =	simm.s32 @p1 $0x1;
	p0 =	seq.s32 s7, s2  }
0x1e: {  	s7 =	smul.u32 @!p0 $0xF7A, s2;
	p2 =	seq.s32 @!p0 s5, $0x0  }
0x1f: {  	s9 =	smul.u32 $0xF7A, s1;
	s8 =	simm.s32 @!p0 $0x1BF5;
	p2 =	por !p2, p0  }
0x20: {  	[sflag:s8] =	ssyncset.s32 @!p0 $0xFFFFF086;
	s6 =	sadd.s32 @!p0 s3, s7;
	s7 =	simm.s32 @!p0 $0x108  }
0x21: {  	s3 =	sadd.s32 s3, s9;
	s6 =	sadd.s32 @!p0 $0x88, s6;
	s7 =	simm.s32 @p2 $0x1082  }
0x22: {  	[simem:s7], [sflag:s8] =	dma.local @!p0 [hbm:s6], $0xF7A  }
0x23: {  	s9 =	sor.u32 $0xD0000000, s2;
	s6 =	simm.s32 $0x108;
	_ =	swait.ge @!p0 [sflag:s8], $0x0  }
0x24: {  	s3 =	sadd.s32 $0x88, s3;
	s6 =	simm.s32 @!p1 $0x1082;
	[sflag:s4] =	ssyncset.s32 $0xFFFFF086  }
0x25: {  	[simem:s6], [sflag:s4] =	dma.local [hbm:s3], $0xF7A  }
0x26: {  	[smem:$0x3F9F] =	sst s1;
	(tag) =	ssettag s2;
	_ =	strace s9  }
0x27: {  	s1 =	sld [smem:$0x3FAF]  }
0x28: {  	s2 =	sld [smem:$0x3FB0]  }
0x29: {  	s4 =	sld [smem:$0x3FB2]  }
0x2a: {  	p0 =	seq.s32 s5, $0x0;
	s5 =	sld [smem:$0x3FB3]  }
0x2b: {  	s6 =	sld [smem:$0x3FB4]  }
0x2c: {  	s7 =	sld [smem:$0x3FB5]  }
0x2d: {  	s3 =	simm.s32 $0x108;
	s8 =	sld [smem:$0x3FB6]  }
0x2e: {  	s3 =	simm.s32 @!p0 $0x1082;
	s9 =	sld [smem:$0x3FB7]  }
0x2f: {  	lr =	sadd.s32 s0, s3;
	s0 =	sld [smem:$0x3FAE]  }
0x30: {  	s3 =	sld [smem:$0x3FB1]  }
0x31: {  	[smem:$0x3FBA] =	sst s10  }
0x32: {  	s10 =	sld [smem:$0x3FB8];
	_ =	sdelay $0x3  }
0x33: {  	p0 =	seq.s32 s10, $0x1;
	s10 =	sld [smem:$0x3FBA];
	_ =	sdelay $0x3  }
0x34: {  	[smem:$0x3FBA] =	sst s10  }
0x35: {  	s10 =	sld [smem:$0x3FB9];
	_ =	sdelay $0x3  }
0x36: {  	p1 =	seq.s32 s10, $0x1;
	s10 =	sld [smem:$0x3FBA];
	_ =	sdelay $0x3  }
0x37: {  	[smem:$0x3FBA] =	sst s10  }
0x38: {  	s10 =	sld [smem:$0x3FBB]  }
0x39: {  	_ = 	snop;
	(pc) =	sbr.ind lr, $3  }
0x3a: {  	_ = 	snop  }
0x3b: {  	_ = 	snop  }
0x3c: {  	p2 =	seq.s32 s10, $0x1;
	s10 =	sld [smem:$0x3FBA]  }
0x3d: {  	_ =	shalt  }
0x3e: {  	_ =	shalt  }
0x3f: {  	_ =	shalt  }
0x40: {  	_ =	shalt  }
0x41: {  	_ =	shalt  }
0x42: {  	_ =	shalt  }
0x43: {  	_ =	shalt  }
0x44: {  	_ =	shalt  }
0x45: {  	_ =	shalt  }
0x46: {  	_ =	shalt  }
0x47: {  	_ =	shalt  }
0x48: {  	_ =	shalt  }
0x49: {  	_ =	shalt  }
0x4a: {  	_ =	shalt  }
0x4b: {  	_ =	shalt  }
0x4c: {  	_ =	shalt  }
0x4d: {  	_ =	shalt  }
0x4e: {  	_ =	shalt  }
0x4f: {  	_ =	shalt  }
0x50: {  	_ =	shalt  }
0x51: {  	_ =	shalt  }
0x52: {  	_ =	shalt  }
0x53: {  	_ =	shalt  }
0x54: {  	_ =	shalt  }
0x55: {  	_ =	shalt  }
0x56: {  	_ =	shalt  }
0x57: {  	_ =	shalt  }
0x58: {  	_ =	shalt  }
0x59: {  	_ =	shalt  }
0x5a: {  	_ =	shalt  }
0x5b: {  	_ =	shalt  }
0x5c: {  	_ =	shalt  }
0x5d: {  	_ =	shalt  }
0x5e: {  	_ =	shalt  }
0x5f: {  	_ =	shalt  }
0x60: {  	_ =	shalt  }
0x61: {  	_ =	shalt  }
0x62: {  	_ =	shalt  }
0x63: {  	_ =	shalt  }
0x64: {  	_ =	shalt  }
0x65: {  	_ =	shalt  }
0x66: {  	_ =	shalt  }
0x67: {  	_ =	shalt  }
0x68: {  	_ =	shalt  }
0x69: {  	_ =	shalt  }
0x6a: {  	_ =	shalt  }
0x6b: {  	_ =	shalt  }
0x6c: {  	_ =	shalt  }
0x6d: {  	_ =	shalt  }
0x6e: {  	_ =	shalt  }
0x6f: {  	_ =	shalt  }
0x70: {  	_ =	shalt  }
0x71: {  	_ =	shalt  }
0x72: {  	_ =	shalt  }
0x73: {  	_ =	shalt  }
0x74: {  	_ =	shalt  }
0x75: {  	_ =	shalt  }
0x76: {  	_ =	shalt  }
0x77: {  	_ =	shalt  }
0x78: {  	_ =	shalt  }
0x79: {  	_ =	shalt  }
0x7a: {  	_ =	shalt  }
0x7b: {  	_ =	shalt  }
0x7c: {  	_ =	shalt  }
0x7d: {  	_ =	shalt  }
0x7e: {  	_ =	shalt  }
0x7f: {  	_ =	shalt  }
0x80: {  	_ =	shalt  }
0x81: {  	_ =	shalt  }
0x82: {  	_ =	shalt  }
0x83: {  	_ =	shalt  }
0x84: {  	_ =	shalt  }
0x85: {  	_ =	shalt  }
0x86: {  	_ =	shalt  }
0x87: {  	_ =	shalt  }
.Lfunc_end0:
.L_simem_size_0:
called_computation.1_lowered:
.L_overlay_start_0:
0x88: {  	s2 =	sld [smem:$0x3FD9]  }
0x89: {  	s3 =	sld [smem:$0x3FFE];
	_ =	sdelay $0x1  }
0x8a: {  	s1 =	srdreg.scid  }
0x8b: {  	s0 =	sand.u32 $0x1, s1  }
0x8c: {  	s14 =	sshll.u32 s0, $0xA;
	s2 =	sadd.s32 s3, s2  }
0x8d: {  	s2 =	sadd.s32 s2, s14  }
0x8e: {  	[smem:$0x3FC6] =	sst s2  }
0x8f: {  	_ = 	snop  }
0x90: {  	s2 =	sld [smem:$0x3FD0];
	_ =	sdelay $0x2  }
0x91: {  	s4 =	simm.s32 $0xA;
	s5 =	simm.s32 $0x10;
	s15 =	sld [smem:$0x3FC9]  }
0x92: {  	[smem:s5], [sflag:s4] =	dma.local [hbm:s2], $0x1  }
0x93: {  	_ =	swait.eq [sflag:s4], $0x1  }
0x94: {  	s16 =	sld [smem:$0x10]  }
0x95: {  	s17 =	sld [smem:$0x11];
	[sflag:s4] =	ssyncset.done $0x0  }
0x96: {  	s6 =	sld [smem:$0x12];
	[sflag:s4] =	ssyncadd.s32 $0xFFFFFFFF  }
0x97: {  	s18 =	sld [smem:$0x13];
	(tm) =	ssettm $0x1  }
0x98: {  	s7 =	sld [smem:$0x3FFB];
	_ =	sdelay $0x3  }
0x99: {  	_ =	strace s7  }
0x9a: {  	s7 =	sld [smem:$0x3FFC];
	_ =	sdelay $0x3  }
0x9b: {  	_ =	strace s7  }
0x9c: {  	s7 =	sld [smem:$0x3FFD];
	_ =	sdelay $0x3  }
0x9d: {  	_ =	strace s7  }
0x9e: {  	_ =	strace $0x8FFFFFFF  }
0x9f: {  	s19 =	sld [smem:$0x3FDB];
	_ =	sdelay $0x1  }
0xa0: {  	s8 =	simm.s32 $_scs_section_size  }
0xa1: {  	s9 =	simm.s32 $_size__tile_overlayer_lowered;
	s10 =	simm.s32 $_tile_overlayer_lowered  }
0xa2: {  	s22 =	simm.s32 $0x1BFF;
	s21 =	sshll.u32 s10, $0x1;
	s7 =	sadd.s32 s8, s19  }
0xa3: {  	s11 =	simm.s32 $0x0;
	s20 =	sshll.u32 s9, $0x1;
	s9 =	sadd.s32 s21, s7  }
0xa4: {  	[timem:s11], [sflag:s22] =	dma.local [hbm:s9], s20  }
0xa5: {  	_ =	swait.ge [sflag:s22], s20  }
0xa6: {  	s8 =	ssub.s32 $0x0, s20;
	[sflag:s22] =	ssyncset.done $0x0  }
0xa7: {  	[sflag:s22] =	ssyncadd.s32 s8;
	_ =	sdelay $0x1  }
0xa8: {  	s23 =	simm.s32 $0x1B8B  }
0xa9: {  	_ =	swait.ge [sflag:s23], $0x1  }
0xaa: {  	[sflag:s23] =	ssyncset.done $0x0  }
0xab: {  	s25 =	simm.s32 $0x1B8E;
	s24 =	sld [smem:$0x3FFE];
	[sflag:s23] =	ssyncadd.s32 $0xFFFFFFFF  }
0xac: {  	s26 =	simm.s32 $execute0_lowered;
	[smem:$0x3FD2] =	sst s25  }
0xad: {  	s9 =	sshll.u32 s26, $0x1;
	_ =	strace $0x80000046;
	[dreg:$0x1] =	wrdreg $0xFFFFFFFF  }
0xae: {  	s28 =	simm.s32 $_size_execute0_lowered;
	s7 =	sadd.s32 s7, s9;
	[dreg:$0x0] =	wrdreg $0x0  }
0xaf: {  	s9 =	sshll.u32 s28, $0x1;
	[dreg:$0x2] =	wrdreg s7  }
0xb0: {  	[dreg:$0x3] =	wrdreg s9  }
0xb1: {  	[dreg:$0x4] =	wrdreg $0xC0  }
0xb2: {  	_ =	task [dreg:s11], $0x5FFFF  }
0xb3: {  	[dreg:$0x1] =	wrdreg $0xFFFFFFFF  }
0xb4: {  	[dreg:$0x0] =	wrdreg $0x60  }
0xb5: {  	[dreg:$0x2] =	wrdreg s15  }
0xb6: {  	[dreg:$0x3] =	wrdreg s24  }
0xb7: {  	[dreg:$0x4] =	wrdreg s16  }
0xb8: {  	[dreg:$0x5] =	wrdreg s17  }
0xb9: {  	[dreg:$0x6] =	wrdreg s6  }
0xba: {  	[dreg:$0x7] =	wrdreg s18  }
0xbb: {  	[dreg:$0x8] =	wrdreg $0x9  }
0xbc: {  	_ =	task.clear_ibuf [dreg:s11], $0x9FFFF;
	_ =	strace $0x90000046  }
0xbd: {  	s29 =	simm.s32 $0x9;
	_ =	strace $0x80000048  }
0xbe: {  	_ =	swait.ge [sflag:s29], $0x1  }
0xbf: {  	[sflag:s29] =	ssyncadd.s32 $0xFFFFFFFF  }
0xc0: {  	_ =	strace $0x90000048  }
0xc1: {  	_ =	sfence  }
0xc2: {  	s30 =	sld [smem:$0x0];
	_ =	sdelay $0x2  }
0xc3: {  	s31 =	sshll.u32 s1, $0xD;
	s1 =	sshrl.u32 s1, $0x2  }
0xc4: {  	s3 =	sand.u32 $0x4000, s31;
	s1 =	sadd.s32 s1, s30  }
0xc5: {  	s0 =	sor.u32 s3, s0;
	s1 =	sshll.u32 s1, $0x11  }
0xc6: {  	s0 =	sor.u32 s1, s0  }
0xc7: {  	s0 =	sadd.s32 $0x8F2B, s0  }
0xc8: {  	[sflag:s0] =	ssyncadd.remote.s32 $0x1  }
0xc9: {  	_ =	sfence.sel $0xFFFF  }
0xca: {  	[dreg:$0x0] =	wrdreg $0xFFFFFFFF;
	(pc) =	sbr.abs _section_cstart, $3  }
0xcb: {  	[dreg:$0x1] =	wrdreg $0xFFFFFFFF  }
0xcc: {  	_ =	task.clear_ibuf [dreg:s11], $0x2FFFF;
	_ =	strace $0x9FFFFFFF  }
0xcd: {  	(tm) =	ssettm $0x7FFFFFFF  }
tec
execute0_lowered:
.L_overlay_start_1:
0x0: {  	(tag) =	ssettag $0x1  }
0x1: {  	s0 =	rddreg [dreg:$0x0]  }
0x2: {  	s1 =	rddreg [dreg:$0x1]  }
0x3: {  	s2 =	rddreg [dreg:$0x2]  }
0x4: {  	s7 =	rddreg [dreg:$0x3]  }
0x5: {  	s9 =	rddreg [dreg:$0x4];
	s4 =	srdreg.scid  }
0x6: {  	s19 =	stileid.u32;
	s3 =	rddreg [dreg:$0x5]  }
0x7: {  	s20 =	simm.s32 $0x113B0;
	s21 =	simm.s32 $0x11330;
	s22 =	simm.s32 $0x8840  }
0x8: {  	s23 =	simm.s32 $0xCD60;
	s24 =	simm.s32 $0x0;
	s12 =	smul.u32 $0x8A00, s19  }
0x9: {  	s8 =	sand.u32 $0x1, s4;
	s5 =	sshll.u32 s19, $0x1;
	s29 =	smul.u32 $0x45000, s19  }
0xa: {  	s4 =	simm.s32 $0x0;
	s19 =	simm.s32 $0x112B0;
	s15 =	smul.u32 $0x4500, s8  }
0xb: {  	s6 =	sor.u32 s8, s5;
	[smem:$0x7FF] =	sst s4;
	s31 =	smul.u32 $0x22800, s8  }
0xc: {  	s11 =	ssub.s32 $0x2, s8;
	s5 =	sadd.s32 $0xC00, s1;
	s10 =	smul.u32 $0x9C40, s6  }
0xd: {  	_ =	strace $0x80000047;
	p0 =	slt.u32 s6, $0x19;
	s25 =	sshrl.u32 s11, $0x1  }
0xe: {  	v4 =	vimm.s32 $0xEDCBA987;
	s18 =	smul.u32 $0x4500, s6;
	s28 =	sshll.u32 s6, $0x1;
	s1 =	ssub.s32 s11, s25  }
0xf: {  	v6 =	vimm.s32 $0x65432100;
	v7 =	vimm.s32 $0x0;
	v8 =	vunpack.c.l.s4.s8 v4;
	s12 =	sadd.s32 s15, s12;
	s6 =	sadd.s32 s2, s28;
	s7 =	sadd.s32 s7, s28  }
0x10: {  	v9 =	vimm.s32 $0x40000000;
	v11 =	vimm.s32 $0x2;
	v10 =	vunpack.c.l.s4.s8 v6;
	s11 =	simm.s32 $0x2;
	s15 =	simm.s32 $0x11280;
	s10 =	simm.s32 @!p0 $0x10000000  }
.Ltmp0:
0x11: {  	v13 =	vimm.s32 $0x4;
	v12 =	vunpack.c.0.s8.s32 v8;
	v8 =	vlaneseq.u32;
	s30 =	sshrl.u32 s12, $0x3;
	s8 =	smax.u32 s1, $0x1;
	(pc) =	sbr.rel .LBB2_1-.Ltmp0, $4  }
0x12: {  	v14 =	vunpack.c.0.s8.s32 v10;
	v10 =	vimm.s32 $0x1;
	s12 =	simm.s32 $0x800;
	v6 =	vmov s18;
	s18 =	simm.s32 $0x80;
	s26 =	sadd.s32 $0x9C40, s10  }
0x13: {  	v15 =	vand.u32 $0xF, v12;
	v12 =	vimm.s32 $0x3;
	s13 =	sadd.s32 $0x1F40, s10;
	s14 =	sadd.s32 $0x3E80, s10;
	s16 =	sadd.s32 $0x5DC0, s10;
	v0 =	vmov s10  }
0x14: {  	s17 =	sadd.s32 $0x7D00, s10;
	s9 =	sadd.s32 s30, s9;
	s10 =	sadd.s32 s31, s29;
	v14 =	vcombine.low v14, v15;
	v1 =	vmov s26;
	v2 =	vmov s13  }
0x15: {  	v3 =	vmov s14;
	v4 =	vmov s16;
	v5 =	vmov s17;
	s13 =	simm.s32 $0x4820;
	s14 =	simm.s32 $0x1;
	s17 =	simm.s32 $0x112A0  }
.LBB2_44:
0x16: {  	[sflag:s11] =	ssyncadd.s32 $0xFFFFE000  }
.LBB2_45:
0x17: {  	s24 =	sadd.s32 $0x1, s24  }
0x18: {  	p0 =	sne.s32 s24, s8  }
.Ltmp1:
0x19: {  	_ = 	snop;
	(pc) =	sbr.rel @!p0 .LBB2_46-.Ltmp1, $1  }
0x1a: {  	_ =	sdelay $0x3  }
.LBB2_1:
0x1b: {  	s25 =	simm.s32 $0x0;
	s28 =	simm.s32 $0x0;
	s26 =	simm.s32 $0x0  }
.LBB2_2:
0x1c: {  	s1 =	sshll.u32 s26, $0x8  }
0x1d: {  	s2 =	simm.s32 $0x0;
	s1 =	sadd.s32 s0, s1  }
0x1e: {  	[tilespmem:s2], [sflag:$0x2] =	stream.linear.gather [hbm4b:s1+s2], $0x800, $0x38;
	[tilespmem:$0x133B0] =	vst v63  }
0x1f: {  	_ =	swait.ge [sflag:s11], $0x800  }
0x20: {  	[sflag:s11] =	ssyncset.done $0x0  }
0x21: {  	s31 =	simm.s32 $0x0;
	[sflag:s11] =	ssyncadd.s32 $0xFFFFF800  }
0x22: {  	v15 =	vld [tilespmem:s31+$0x0];
	_ =	sdelay $0x4  }
0x23: {  	vm0 =	vge.s32 v15, v0;
	vm1 =	vlt.s32 v15, v1  }
0x24: {  	vm0 =	vmand vm0, vm1  }
0x25: {  	v16 =	vsel vm0, $0x1, v7  }
0x26: {  	(xrf0) =	vadd.scan.msk.s32 $0xffff, v16;
	_ =	sdelay $0x4  }
0x27: {  	v63 =	vsel vm0, $0xFFFFFFFF, v7  }
0x28: {  	v16 =	vadd.s32 s28, v63;
	v17, _, _ =	vpop (xrf0)  }
0x29: {  	v16 =	vadd.s32 v17, v16;
	(v2sf) =	vpush v17, $0xF;
	_ =	sdelay $0x4  }
0x2a: {  	[tilespmem:v16+s12+$0x0] =	vst.idx.msk vm0, v15;
	v15 =	vor.u32 s25, v8  }
0x2b: {  	s29 =	smov.u32 s25;
	s2 =	simm.s32 $0x10;
	s1 =	simm.s32 $0x80;
	[tilespmem:v16+s13+$0x0] =	vst.idx.msk vm0, v15  }
.LBB2_3:
0x2c: {  	p0 =	sne.s32 s1, $0x1FC0;
	v15 =	vld [tilespmem:s2+$0x0];
	_ =	sdelay $0x4  }
0x2d: {  	vm0 =	vge.s32 v15, v0;
	vm1 =	vlt.s32 v15, v1  }
0x2e: {  	vm0 =	vmand vm0, vm1  }
0x2f: {  	v16 =	vsel vm0, $0xFFFFFFFF, v7;
	v17 =	vsel vm0, $0x1, v7  }
0x30: {  	(xrf0) =	vadd.scan.msk.s32 $0xffff, v17;
	s2 =	spop (v2sf)  }
0x31: {  	s28 =	sadd.s32 s28, s2  }
0x32: {  	v16 =	vadd.s32 s28, v16;
	_ =	sdelay $0x3  }
0x33: {  	v17, _, _ =	vpop (xrf0)  }
0x34: {  	v16 =	vadd.s32 v17, v16;
	(v2sf) =	vpush v17, $0xF;
	_ =	sdelay $0x1  }
.Ltmp2:
0x35: {  	(pc) =	sbr.rel @p0 .LBB2_3-.Ltmp2, $4  }
0x36: {  	_ = 	snop  }
0x37: {  	s29 =	sadd.s32 $0x10, s29  }
0x38: {  	[tilespmem:v16+s12+$0x0] =	vst.idx.msk vm0, v15;
	v15 =	vor.u32 s29, v8  }
0x39: {  	s2 =	sshra.s32 s1, $0x2;
	s1 =	sadd.s32 $0x40, s1;
	[tilespmem:v16+s13+$0x0] =	vst.idx.msk vm0, v15  }
0x3a: {  	v15 =	vld [tilespmem:s2+$0x0];
	_ =	sdelay $0x4  }
0x3b: {  	vm0 =	vge.s32 v15, v0;
	vm1 =	vlt.s32 v15, v1  }
0x3c: {  	vm0 =	vmand vm0, vm1  }
0x3d: {  	v16 =	vsel vm0, $0x1, v7  }
0x3e: {  	(xrf0) =	vadd.scan.msk.s32 $0xffff, v16;
	_ =	sdelay $0x5  }
0x3f: {  	v16, _, _ =	vpop (xrf0)  }
0x40: {  	(v2sf) =	vpush v16, $0xF;
	_ =	sdelay $0x6  }
0x41: {  	s1 =	spop (v2sf)  }
0x42: {  	v17 =	vsel vm0, $0xFFFFFFFF, v7;
	s1 =	sadd.s32 s28, s1  }
0x43: {  	v17 =	vadd.s32 s1, v17  }
0x44: {  	s26 =	sadd.s32 $0x1, s26;
	v16 =	vadd.s32 v16, v17  }
0x45: {  	p0 =	sne.s32 s26, $0x8  }
.Ltmp3:
0x46: {  	_ = 	snop;
	(pc) =	sbr.rel @p0 .LBB2_2-.Ltmp3, $4  }
0x47: {  	_ = 	snop  }
0x48: {  	s30 =	sadd.s32 $0x10, s29  }
0x49: {  	[tilespmem:v16+s12+$0x0] =	vst.idx.msk vm0, v15;
	v15 =	vor.u32 s30, v8;
	s31 =	spop (v2sf)  }
0x4a: {  	s25 =	sadd.s32 $0x800, s25;
	[tilespmem:v16+s13+$0x0] =	vst.idx.msk vm0, v15;
	s28 =	sadd.s32 s1, s31  }
0x4b: {  	s1 =	sand.u32 $0xF, s28  }
0x4c: {  	s2 =	sshra.s32 s28, $0x1F;
	p0 =	slt.s32 s28, $0x1;
	p1 =	sne.s32 s1, $0x0  }
0x4d: {  	s31 =	sshrl.u32 s2, $0x1C;
	p0 =	por !p0, !p1  }
0x4e: {  	s2 =	simm.s32 $0x1;
	s1 =	sadd.s32 s31, s28;
	p1 =	por !p0, !p0  }
0x4f: {  	s25 =	sshra.s32 s1, $0x4;
	s2 =	simm.s32 @!p1 $0x0  }
0x50: {  	s1 =	ssub.s32 s25, s2  }
0x51: {  	p0 =	slt.s32 s1, $0x0  }
.Ltmp4:
0x52: {  	_ = 	snop;
	(pc) =	sbr.rel @p0 .LBB2_6-.Ltmp4, $3  }
0x53: {  	_ =	sdelay $0x1  }
0x54: {  	s26 =	simm.s32 $0xFFFFFFFF  }
0x55: {  	[tilespmem:s28+$0x800] =	vst v9;
	s26 =	simm.s32 @!p1 $0x0  }
0x56: {  	s1 =	sadd.s32 s26, s25  }
0x57: {  	s1 =	sadd.s32 $0x1, s1  }
0x58: {  	p2 =	sne.s32 s1, $0x1  }
.Ltmp5:
0x59: {  	_ = 	snop;
	(pc) =	sbr.rel @!p2 .LBB2_8-.Ltmp5, $3  }
0x5a: {  	_ =	sdelay $0x1  }
0x5b: {  	s28 =	simm.s32 $0x0;
	s2 =	simm.s32 $0x800  }
0x5c: {  	s29 =	simm.s32 $0x4820;
	p1 =	por $0x0, $0x0;
	v15 =	vld [tilespmem:s2+$0x0];
	s1 =	sadd.s32 $0xFFFFFFFF, s1  }
0x5d: {  	_ =	sdelay $0x3  }
0x5e: {  	vm0 =	vge.s32 v15, v0;
	vm1 =	vlt.s32 v15, v2  }
0x5f: {  	vm0 =	vmand vm0, vm1  }
0x60: {  	v16 =	vsel vm0, $0x1, v7  }
0x61: {  	(xrf0) =	vadd.scan.msk.s32 $0xffff, v16;
	_ =	sdelay $0x4  }
0x62: {  	v16 =	vsel vm0, $0xFFFFFFFF, v7  }
0x63: {  	v16 =	vadd.s32 s28, v16;
	v17, _, _ =	vpop (xrf0)  }
0x64: {  	v16 =	vadd.s32 v17, v16;
	(v2sf) =	vpush v17, $0xF  }
0x65: {  	v18 =	vld [tilespmem:s29+$0x0]  }
0x66: {  	p2 =	sne.s32 s1, $0x1  }
.Ltmp6:
0x67: {  	_ = 	snop;
	(pc) =	sbr.rel @!p2 .LBB2_10-.Ltmp6, $4  }
0x68: {  	_ = 	snop  }
0x69: {  	[tilespmem:v16+s22+$0x0] =	vst.idx.msk vm0, v15  }
0x6a: {  	s2 =	simm.s32 $0x810;
	s1 =	sadd.s32 $0xFFFFFFFF, s1;
	[tilespmem:v16+s23+$0x0] =	vst.idx.msk vm0, v18  }
0x6b: {  	p1 =	por $0x1, $0x1;
	s31 =	simm.s32 $0x0;
	s30 =	simm.s32 $0x4820;
	v15 =	vld [tilespmem:s2+$0x0]  }
.LBB2_11:
0x6c: {  	p2 =	sne.s32 s1, $0x1;
	_ =	sdelay $0x3  }
0x6d: {  	vm0 =	vge.s32 v15, v0;
	vm1 =	vlt.s32 v15, v2  }
0x6e: {  	vm0 =	vmand vm0, vm1  }
0x6f: {  	v16 =	vsel vm0, $0xFFFFFFFF, v7;
	v17 =	vsel vm0, $0x1, v7  }
0x70: {  	(xrf0) =	vadd.scan.msk.s32 $0xffff, v17;
	s16 =	spop (v2sf)  }
0x71: {  	s31 =	sadd.s32 s31, s16  }
0x72: {  	v16 =	vadd.s32 s31, v16;
	_ =	sdelay $0x3  }
0x73: {  	v17, _, _ =	vpop (xrf0)  }
0x74: {  	s30 =	sadd.s32 $0x10, s30;
	v16 =	vadd.s32 v17, v16;
	(v2sf) =	vpush v17, $0xF  }
0x75: {  	v17 =	vld [tilespmem:s30+$0x0];
	_ =	sdelay $0x1  }
.Ltmp7:
0x76: {  	(pc) =	sbr.rel @p2 .LBB2_11-.Ltmp7, $4  }
0x77: {  	_ = 	snop  }
0x78: {  	[tilespmem:v16+s22+$0x0] =	vst.idx.msk vm0, v15  }
0x79: {  	s2 =	sadd.s32 $0x10, s2;
	[tilespmem:v16+s23+$0x0] =	vst.idx.msk vm0, v17  }
0x7a: {  	s1 =	sadd.s32 $0xFFFFFFFF, s1;
	v15 =	vld [tilespmem:s2+$0x0]  }
.LBB2_12:
0x7b: {  	_ =	sdelay $0x3  }
0x7c: {  	vm0 =	vge.s32 v15, v0;
	vm1 =	vlt.s32 v15, v2  }
0x7d: {  	vm0 =	vmand vm0, vm1  }
0x7e: {  	v16 =	vsel vm0, $0x1, v7  }
0x7f: {  	(xrf0) =	vadd.scan.msk.s32 $0xffff, v16;
	_ =	sdelay $0x5  }
0x80: {  	v16, _, _ =	vpop (xrf0)  }
0x81: {  	(v2sf) =	vpush v16, $0xF;
	_ =	sdelay $0x5  }
0x82: {  	s1 =	spop @p1 (v2sf)  }
0x83: {  	s1 =	sadd.s32 @p1 s31, s1  }
0x84: {  	v17 =	vsel vm0, $0xFFFFFFFF, v7;
	s28 =	smov.u32 @p1 s1  }
0x85: {  	s1 =	sadd.s32 @p1 $0x10, s30;
	v17 =	vadd.s32 s28, v17  }
0x86: {  	s29 =	smov.u32 @p1 s1;
	v16 =	vadd.s32 v16, v17  }
0x87: {  	v63 =	vld [tilespmem:s29+$0x0]  }
.Ltmp8:
0x88: {  	_ = 	snop;
	(pc) =	sbr.rel .LBB2_13-.Ltmp8, $3  }
0x89: {  	_ =	sdelay $0x1  }
0x8a: {  	[tilespmem:v16+s22+$0x0] =	vst.idx.msk vm0, v15;
	s31 =	spop (v2sf)  }
0x8b: {  	[tilespmem:v16+s23+$0x0] =	vst.idx.msk vm0, v63;
	s1 =	sadd.s32 s28, s31  }
.LBB2_6:
0x8c: {  	s1 =	simm.s32 $0x0  }
.LBB2_13:
0x8d: {  	_ =	sdelay $0x2  }
0x8e: {  	v15 =	vmov s1  }
0x8f: {  	[tilespmem:v7+s15+$0x0] =	vst.idx.msk $0x1, v15  }
0x90: {  	s2 =	sadd.s32 $0x7F, s1;
	[tilespmem:s1+$0xCD60] =	vst v7  }
0x91: {  	s16 =	sand.u32 $0x7F, s2;
	[tilespmem:s1+$0xCD70] =	vst v7  }
0x92: {  	s31 =	sshra.s32 s2, $0x1F;
	p2 =	slt.s32 s2, $0x1;
	[tilespmem:s1+$0xCD80] =	vst v7;
	p1 =	sne.s32 s16, $0x0  }
.Ltmp9:
0x93: {  	[tilespmem:s1+$0xCD90] =	vst v7;
	s16 =	sshrl.u32 s31, $0x19;
	p1 =	por !p2, !p1;
	(pc) =	sbr.rel @p0 .LBB2_20-.Ltmp9, $4  }
0x94: {  	[tilespmem:s1+$0xCDA0] =	vst v7;
	s2 =	sadd.s32 s16, s2;
	s16 =	simm.s32 $0x1;
	p1 =	por !p1, !p1  }
0x95: {  	[tilespmem:s1+$0xCDB0] =	vst v7;
	s2 =	sshrl.u32 s2, $0x7;
	s16 =	simm.s32 @!p1 $0x0  }
0x96: {  	[tilespmem:s1+$0xCDC0] =	vst v7;
	s2 =	ssub.s32 s2, s16  }
0x97: {  	[tilespmem:s1+$0xCDD0] =	vst v7;
	s28 =	sshll.u32 s2, $0x7  }
0x98: {  	s1 =	sadd.s32 s26, s25  }
0x99: {  	s1 =	sadd.s32 $0x1, s1  }
0x9a: {  	p2 =	sne.s32 s1, $0x1  }
.Ltmp10:
0x9b: {  	_ = 	snop;
	(pc) =	sbr.rel @!p2 .LBB2_15-.Ltmp10, $3  }
0x9c: {  	_ =	sdelay $0x1  }
0x9d: {  	s2 =	simm.s32 $0x800  }
0x9e: {  	s29 =	simm.s32 $0x4820;
	p1 =	por $0x0, $0x0;
	v15 =	vld [tilespmem:s2+$0x0];
	s1 =	sadd.s32 $0xFFFFFFFF, s1  }
0x9f: {  	_ =	sdelay $0x3  }
0xa0: {  	vm0 =	vge.s32 v15, v2;
	vm1 =	vlt.s32 v15, v3  }
0xa1: {  	vm0 =	vmand vm0, vm1  }
0xa2: {  	v16 =	vsel vm0, $0x1, v7  }
0xa3: {  	(xrf0) =	vadd.scan.msk.s32 $0xffff, v16;
	_ =	sdelay $0x4  }
0xa4: {  	v16 =	vsel vm0, $0xFFFFFFFF, v7  }
0xa5: {  	v16 =	vadd.s32 s28, v16;
	v17, _, _ =	vpop (xrf0)  }
0xa6: {  	v16 =	vadd.s32 v17, v16;
	(v2sf) =	vpush v17, $0xF  }
0xa7: {  	v18 =	vld [tilespmem:s29+$0x0]  }
0xa8: {  	p2 =	sne.s32 s1, $0x1  }
.Ltmp11:
0xa9: {  	_ = 	snop;
	(pc) =	sbr.rel @!p2 .LBB2_17-.Ltmp11, $4  }
0xaa: {  	_ = 	snop  }
0xab: {  	[tilespmem:v16+s22+$0x0] =	vst.idx.msk vm0, v15  }
0xac: {  	s2 =	simm.s32 $0x810;
	s1 =	sadd.s32 $0xFFFFFFFF, s1;
	[tilespmem:v16+s23+$0x0] =	vst.idx.msk vm0, v18  }
0xad: {  	p1 =	por $0x1, $0x1;
	s31 =	smov.u32 s28;
	s30 =	simm.s32 $0x4820;
	v15 =	vld [tilespmem:s2+$0x0]  }
.LBB2_18:
0xae: {  	p2 =	sne.s32 s1, $0x1;
	_ =	sdelay $0x3  }
0xaf: {  	vm0 =	vge.s32 v15, v2;
	vm1 =	vlt.s32 v15, v3  }
0xb0: {  	vm0 =	vmand vm0, vm1  }
0xb1: {  	v16 =	vsel vm0, $0xFFFFFFFF, v7;
	v17 =	vsel vm0, $0x1, v7  }
0xb2: {  	(xrf0) =	vadd.scan.msk.s32 $0xffff, v17;
	s16 =	spop (v2sf)  }
0xb3: {  	s31 =	sadd.s32 s31, s16  }
0xb4: {  	v16 =	vadd.s32 s31, v16;
	_ =	sdelay $0x3  }
0xb5: {  	v17, _, _ =	vpop (xrf0)  }
0xb6: {  	s30 =	sadd.s32 $0x10, s30;
	v16 =	vadd.s32 v17, v16;
	(v2sf) =	vpush v17, $0xF  }
0xb7: {  	v17 =	vld [tilespmem:s30+$0x0];
	_ =	sdelay $0x1  }
.Ltmp12:
0xb8: {  	(pc) =	sbr.rel @p2 .LBB2_18-.Ltmp12, $4  }
0xb9: {  	_ = 	snop  }
0xba: {  	[tilespmem:v16+s22+$0x0] =	vst.idx.msk vm0, v15  }
0xbb: {  	s2 =	sadd.s32 $0x10, s2;
	[tilespmem:v16+s23+$0x0] =	vst.idx.msk vm0, v17  }
0xbc: {  	s1 =	sadd.s32 $0xFFFFFFFF, s1;
	v15 =	vld [tilespmem:s2+$0x0]  }
.LBB2_19:
0xbd: {  	_ =	sdelay $0x3  }
0xbe: {  	vm0 =	vge.s32 v15, v2;
	vm1 =	vlt.s32 v15, v3  }
0xbf: {  	vm0 =	vmand vm0, vm1  }
0xc0: {  	v16 =	vsel vm0, $0x1, v7  }
0xc1: {  	(xrf0) =	vadd.scan.msk.s32 $0xffff, v16;
	_ =	sdelay $0x5  }
0xc2: {  	v16, _, _ =	vpop (xrf0)  }
0xc3: {  	(v2sf) =	vpush v16, $0xF;
	_ =	sdelay $0x5  }
0xc4: {  	s1 =	spop @p1 (v2sf)  }
0xc5: {  	s1 =	sadd.s32 @p1 s31, s1  }
0xc6: {  	v17 =	vsel vm0, $0xFFFFFFFF, v7;
	s28 =	smov.u32 @p1 s1  }
0xc7: {  	s1 =	sadd.s32 @p1 $0x10, s30;
	v17 =	vadd.s32 s28, v17  }
0xc8: {  	s29 =	smov.u32 @p1 s1;
	v16 =	vadd.s32 v16, v17  }
0xc9: {  	v63 =	vld [tilespmem:s29+$0x0];
	_ =	sdelay $0x3  }
0xca: {  	[tilespmem:v16+s22+$0x0] =	vst.idx.msk vm0, v15;
	s31 =	spop (v2sf)  }
0xcb: {  	[tilespmem:v16+s23+$0x0] =	vst.idx.msk vm0, v63;
	s28 =	sadd.s32 s28, s31  }
.LBB2_20:
0xcc: {  	_ =	sdelay $0x2  }
0xcd: {  	v15 =	vmov s28  }
0xce: {  	[tilespmem:v10+s15+$0x0] =	vst.idx.msk $0x1, v15  }
0xcf: {  	s1 =	sadd.s32 $0x7F, s28;
	[tilespmem:s28+$0xCD60] =	vst v7  }
0xd0: {  	s2 =	sand.u32 $0x7F, s1;
	[tilespmem:s28+$0xCD70] =	vst v7  }
0xd1: {  	s31 =	sshra.s32 s1, $0x1F;
	p2 =	slt.s32 s1, $0x1;
	[tilespmem:s28+$0xCD80] =	vst v7;
	p1 =	sne.s32 s2, $0x0  }
.Ltmp13:
0xd2: {  	[tilespmem:s28+$0xCD90] =	vst v7;
	s2 =	sshrl.u32 s31, $0x19;
	p1 =	por !p2, !p1;
	(pc) =	sbr.rel @p0 .LBB2_27-.Ltmp13, $4  }
0xd3: {  	[tilespmem:s28+$0xCDA0] =	vst v7;
	s1 =	sadd.s32 s2, s1;
	s2 =	simm.s32 $0x1;
	p1 =	por !p1, !p1  }
0xd4: {  	[tilespmem:s28+$0xCDB0] =	vst v7;
	s1 =	sshrl.u32 s1, $0x7;
	s2 =	simm.s32 @!p1 $0x0  }
0xd5: {  	[tilespmem:s28+$0xCDC0] =	vst v7;
	s1 =	ssub.s32 s1, s2  }
0xd6: {  	[tilespmem:s28+$0xCDD0] =	vst v7;
	s28 =	sshll.u32 s1, $0x7  }
0xd7: {  	s1 =	sadd.s32 s26, s25  }
0xd8: {  	s1 =	sadd.s32 $0x1, s1  }
0xd9: {  	p2 =	sne.s32 s1, $0x1  }
.Ltmp14:
0xda: {  	_ = 	snop;
	(pc) =	sbr.rel @!p2 .LBB2_22-.Ltmp14, $3  }
0xdb: {  	_ =	sdelay $0x1  }
0xdc: {  	s2 =	simm.s32 $0x800  }
0xdd: {  	s29 =	simm.s32 $0x4820;
	p1 =	por $0x0, $0x0;
	v15 =	vld [tilespmem:s2+$0x0];
	s1 =	sadd.s32 $0xFFFFFFFF, s1  }
0xde: {  	_ =	sdelay $0x3  }
0xdf: {  	vm0 =	vge.s32 v15, v3;
	vm1 =	vlt.s32 v15, v4  }
0xe0: {  	vm0 =	vmand vm0, vm1  }
0xe1: {  	v16 =	vsel vm0, $0x1, v7  }
0xe2: {  	(xrf0) =	vadd.scan.msk.s32 $0xffff, v16;
	_ =	sdelay $0x4  }
0xe3: {  	v16 =	vsel vm0, $0xFFFFFFFF, v7  }
0xe4: {  	v16 =	vadd.s32 s28, v16;
	v17, _, _ =	vpop (xrf0)  }
0xe5: {  	v16 =	vadd.s32 v17, v16;
	(v2sf) =	vpush v17, $0xF  }
0xe6: {  	v18 =	vld [tilespmem:s29+$0x0]  }
0xe7: {  	p2 =	sne.s32 s1, $0x1  }
.Ltmp15:
0xe8: {  	_ = 	snop;
	(pc) =	sbr.rel @!p2 .LBB2_24-.Ltmp15, $4  }
0xe9: {  	_ = 	snop  }
0xea: {  	[tilespmem:v16+s22+$0x0] =	vst.idx.msk vm0, v15  }
0xeb: {  	s2 =	simm.s32 $0x810;
	s1 =	sadd.s32 $0xFFFFFFFF, s1;
	[tilespmem:v16+s23+$0x0] =	vst.idx.msk vm0, v18  }
0xec: {  	p1 =	por $0x1, $0x1;
	s31 =	smov.u32 s28;
	s30 =	simm.s32 $0x4820;
	v15 =	vld [tilespmem:s2+$0x0]  }
.LBB2_25:
0xed: {  	p2 =	sne.s32 s1, $0x1;
	_ =	sdelay $0x3  }
0xee: {  	vm0 =	vge.s32 v15, v3;
	vm1 =	vlt.s32 v15, v4  }
0xef: {  	vm0 =	vmand vm0, vm1  }
0xf0: {  	v16 =	vsel vm0, $0xFFFFFFFF, v7;
	v17 =	vsel vm0, $0x1, v7  }
0xf1: {  	(xrf0) =	vadd.scan.msk.s32 $0xffff, v17;
	s16 =	spop (v2sf)  }
0xf2: {  	s31 =	sadd.s32 s31, s16  }
0xf3: {  	v16 =	vadd.s32 s31, v16;
	_ =	sdelay $0x3  }
0xf4: {  	v17, _, _ =	vpop (xrf0)  }
0xf5: {  	s30 =	sadd.s32 $0x10, s30;
	v16 =	vadd.s32 v17, v16;
	(v2sf) =	vpush v17, $0xF  }
0xf6: {  	v17 =	vld [tilespmem:s30+$0x0];
	_ =	sdelay $0x1  }
.Ltmp16:
0xf7: {  	(pc) =	sbr.rel @p2 .LBB2_25-.Ltmp16, $4  }
0xf8: {  	_ = 	snop  }
0xf9: {  	[tilespmem:v16+s22+$0x0] =	vst.idx.msk vm0, v15  }
0xfa: {  	s2 =	sadd.s32 $0x10, s2;
	[tilespmem:v16+s23+$0x0] =	vst.idx.msk vm0, v17  }
0xfb: {  	s1 =	sadd.s32 $0xFFFFFFFF, s1;
	v15 =	vld [tilespmem:s2+$0x0]  }
.LBB2_26:
0xfc: {  	_ =	sdelay $0x3  }
0xfd: {  	vm0 =	vge.s32 v15, v3;
	vm1 =	vlt.s32 v15, v4  }
0xfe: {  	vm0 =	vmand vm0, vm1  }
0xff: {  	v16 =	vsel vm0, $0x1, v7  }
0x100: {  	(xrf0) =	vadd.scan.msk.s32 $0xffff, v16;
	_ =	sdelay $0x5  }
0x101: {  	v16, _, _ =	vpop (xrf0)  }
0x102: {  	(v2sf) =	vpush v16, $0xF;
	_ =	sdelay $0x5  }
0x103: {  	s1 =	spop @p1 (v2sf)  }
0x104: {  	s1 =	sadd.s32 @p1 s31, s1  }
0x105: {  	v17 =	vsel vm0, $0xFFFFFFFF, v7;
	s28 =	smov.u32 @p1 s1  }
0x106: {  	s1 =	sadd.s32 @p1 $0x10, s30;
	v17 =	vadd.s32 s28, v17  }
0x107: {  	s29 =	smov.u32 @p1 s1;
	v16 =	vadd.s32 v16, v17  }
0x108: {  	v63 =	vld [tilespmem:s29+$0x0];
	_ =	sdelay $0x3  }
0x109: {  	[tilespmem:v16+s22+$0x0] =	vst.idx.msk vm0, v15;
	s31 =	spop (v2sf)  }
0x10a: {  	[tilespmem:v16+s23+$0x0] =	vst.idx.msk vm0, v63;
	s28 =	sadd.s32 s28, s31  }
.LBB2_27:
0x10b: {  	_ =	sdelay $0x2  }
0x10c: {  	v15 =	vmov s28  }
0x10d: {  	[tilespmem:v11+s15+$0x0] =	vst.idx.msk $0x1, v15  }
0x10e: {  	s1 =	sadd.s32 $0x7F, s28;
	[tilespmem:s28+$0xCD60] =	vst v7  }
0x10f: {  	s2 =	sand.u32 $0x7F, s1;
	[tilespmem:s28+$0xCD70] =	vst v7  }
0x110: {  	s31 =	sshra.s32 s1, $0x1F;
	p2 =	slt.s32 s1, $0x1;
	[tilespmem:s28+$0xCD80] =	vst v7;
	p1 =	sne.s32 s2, $0x0  }
.Ltmp17:
0x111: {  	[tilespmem:s28+$0xCD90] =	vst v7;
	s2 =	sshrl.u32 s31, $0x19;
	p1 =	por !p2, !p1;
	(pc) =	sbr.rel @p0 .LBB2_34-.Ltmp17, $4  }
0x112: {  	[tilespmem:s28+$0xCDA0] =	vst v7;
	s1 =	sadd.s32 s2, s1;
	s2 =	simm.s32 $0x1;
	p1 =	por !p1, !p1  }
0x113: {  	[tilespmem:s28+$0xCDB0] =	vst v7;
	s1 =	sshrl.u32 s1, $0x7;
	s2 =	simm.s32 @!p1 $0x0  }
0x114: {  	[tilespmem:s28+$0xCDC0] =	vst v7;
	s1 =	ssub.s32 s1, s2  }
0x115: {  	[tilespmem:s28+$0xCDD0] =	vst v7;
	s28 =	sshll.u32 s1, $0x7  }
0x116: {  	s1 =	sadd.s32 s26, s25  }
0x117: {  	s1 =	sadd.s32 $0x1, s1  }
0x118: {  	p2 =	sne.s32 s1, $0x1  }
.Ltmp18:
0x119: {  	_ = 	snop;
	(pc) =	sbr.rel @!p2 .LBB2_29-.Ltmp18, $3  }
0x11a: {  	_ =	sdelay $0x1  }
0x11b: {  	s2 =	simm.s32 $0x800  }
0x11c: {  	s29 =	simm.s32 $0x4820;
	p1 =	por $0x0, $0x0;
	v15 =	vld [tilespmem:s2+$0x0];
	s1 =	sadd.s32 $0xFFFFFFFF, s1  }
0x11d: {  	_ =	sdelay $0x3  }
0x11e: {  	vm0 =	vge.s32 v15, v4;
	vm1 =	vlt.s32 v15, v5  }
0x11f: {  	vm0 =	vmand vm0, vm1  }
0x120: {  	v16 =	vsel vm0, $0x1, v7  }
0x121: {  	(xrf0) =	vadd.scan.msk.s32 $0xffff, v16;
	_ =	sdelay $0x4  }
0x122: {  	v16 =	vsel vm0, $0xFFFFFFFF, v7  }
0x123: {  	v16 =	vadd.s32 s28, v16;
	v17, _, _ =	vpop (xrf0)  }
0x124: {  	v16 =	vadd.s32 v17, v16;
	(v2sf) =	vpush v17, $0xF  }
0x125: {  	v18 =	vld [tilespmem:s29+$0x0]  }
0x126: {  	p2 =	sne.s32 s1, $0x1  }
.Ltmp19:
0x127: {  	_ = 	snop;
	(pc) =	sbr.rel @!p2 .LBB2_31-.Ltmp19, $4  }
0x128: {  	_ = 	snop  }
0x129: {  	[tilespmem:v16+s22+$0x0] =	vst.idx.msk vm0, v15  }
0x12a: {  	s2 =	simm.s32 $0x810;
	s1 =	sadd.s32 $0xFFFFFFFF, s1;
	[tilespmem:v16+s23+$0x0] =	vst.idx.msk vm0, v18  }
0x12b: {  	p1 =	por $0x1, $0x1;
	s31 =	smov.u32 s28;
	s30 =	simm.s32 $0x4820;
	v15 =	vld [tilespmem:s2+$0x0]  }
.LBB2_32:
0x12c: {  	p2 =	sne.s32 s1, $0x1;
	_ =	sdelay $0x3  }
0x12d: {  	vm0 =	vge.s32 v15, v4;
	vm1 =	vlt.s32 v15, v5  }
0x12e: {  	vm0 =	vmand vm0, vm1  }
0x12f: {  	v16 =	vsel vm0, $0xFFFFFFFF, v7;
	v17 =	vsel vm0, $0x1, v7  }
0x130: {  	(xrf0) =	vadd.scan.msk.s32 $0xffff, v17;
	s16 =	spop (v2sf)  }
0x131: {  	s31 =	sadd.s32 s31, s16  }
0x132: {  	v16 =	vadd.s32 s31, v16;
	_ =	sdelay $0x3  }
0x133: {  	v17, _, _ =	vpop (xrf0)  }
0x134: {  	s30 =	sadd.s32 $0x10, s30;
	v16 =	vadd.s32 v17, v16;
	(v2sf) =	vpush v17, $0xF  }
0x135: {  	v17 =	vld [tilespmem:s30+$0x0];
	_ =	sdelay $0x1  }
.Ltmp20:
0x136: {  	(pc) =	sbr.rel @p2 .LBB2_32-.Ltmp20, $4  }
0x137: {  	_ = 	snop  }
0x138: {  	[tilespmem:v16+s22+$0x0] =	vst.idx.msk vm0, v15  }
0x139: {  	s2 =	sadd.s32 $0x10, s2;
	[tilespmem:v16+s23+$0x0] =	vst.idx.msk vm0, v17  }
0x13a: {  	s1 =	sadd.s32 $0xFFFFFFFF, s1;
	v15 =	vld [tilespmem:s2+$0x0]  }
.LBB2_33:
0x13b: {  	_ =	sdelay $0x3  }
0x13c: {  	vm0 =	vge.s32 v15, v4;
	vm1 =	vlt.s32 v15, v5  }
0x13d: {  	vm0 =	vmand vm0, vm1  }
0x13e: {  	v16 =	vsel vm0, $0x1, v7  }
0x13f: {  	(xrf0) =	vadd.scan.msk.s32 $0xffff, v16;
	_ =	sdelay $0x5  }
0x140: {  	v16, _, _ =	vpop (xrf0)  }
0x141: {  	(v2sf) =	vpush v16, $0xF;
	_ =	sdelay $0x5  }
0x142: {  	s1 =	spop @p1 (v2sf)  }
0x143: {  	s1 =	sadd.s32 @p1 s31, s1  }
0x144: {  	v17 =	vsel vm0, $0xFFFFFFFF, v7;
	s28 =	smov.u32 @p1 s1  }
0x145: {  	s1 =	sadd.s32 @p1 $0x10, s30;
	v17 =	vadd.s32 s28, v17  }
0x146: {  	s29 =	smov.u32 @p1 s1;
	v16 =	vadd.s32 v16, v17  }
0x147: {  	v63 =	vld [tilespmem:s29+$0x0];
	_ =	sdelay $0x3  }
0x148: {  	[tilespmem:v16+s22+$0x0] =	vst.idx.msk vm0, v15;
	s31 =	spop (v2sf)  }
0x149: {  	[tilespmem:v16+s23+$0x0] =	vst.idx.msk vm0, v63;
	s28 =	sadd.s32 s28, s31  }
.LBB2_34:
0x14a: {  	_ =	sdelay $0x2  }
0x14b: {  	v15 =	vmov s28  }
0x14c: {  	[tilespmem:v12+s15+$0x0] =	vst.idx.msk $0x1, v15  }
0x14d: {  	s1 =	sadd.s32 $0x7F, s28;
	[tilespmem:s28+$0xCD60] =	vst v7  }
0x14e: {  	s2 =	sand.u32 $0x7F, s1;
	[tilespmem:s28+$0xCD70] =	vst v7  }
0x14f: {  	s31 =	sshra.s32 s1, $0x1F;
	p2 =	slt.s32 s1, $0x1;
	[tilespmem:s28+$0xCD80] =	vst v7;
	p1 =	sne.s32 s2, $0x0  }
.Ltmp21:
0x150: {  	[tilespmem:s28+$0xCD90] =	vst v7;
	s2 =	sshrl.u32 s31, $0x19;
	p1 =	por !p2, !p1;
	(pc) =	sbr.rel @p0 .LBB2_41-.Ltmp21, $4  }
0x151: {  	[tilespmem:s28+$0xCDA0] =	vst v7;
	s1 =	sadd.s32 s2, s1;
	s2 =	simm.s32 $0x1;
	p1 =	por !p1, !p1  }
0x152: {  	[tilespmem:s28+$0xCDB0] =	vst v7;
	s1 =	sshrl.u32 s1, $0x7;
	s2 =	simm.s32 @!p1 $0x0  }
0x153: {  	[tilespmem:s28+$0xCDC0] =	vst v7;
	s1 =	ssub.s32 s1, s2  }
0x154: {  	[tilespmem:s28+$0xCDD0] =	vst v7;
	s28 =	sshll.u32 s1, $0x7  }
0x155: {  	s1 =	sadd.s32 s26, s25  }
0x156: {  	s1 =	sadd.s32 $0x1, s1  }
0x157: {  	p1 =	sne.s32 s1, $0x1  }
.Ltmp22:
0x158: {  	_ = 	snop;
	(pc) =	sbr.rel @!p1 .LBB2_36-.Ltmp22, $3  }
0x159: {  	_ =	sdelay $0x1  }
0x15a: {  	s2 =	simm.s32 $0x800  }
0x15b: {  	s25 =	simm.s32 $0x4820;
	p0 =	por $0x0, $0x0;
	v15 =	vld [tilespmem:s2+$0x0];
	s1 =	sadd.s32 $0xFFFFFFFF, s1  }
0x15c: {  	_ =	sdelay $0x3  }
0x15d: {  	vm0 =	vge.s32 v15, v5;
	vm1 =	vlt.s32 v15, v1  }
0x15e: {  	vm0 =	vmand vm0, vm1  }
0x15f: {  	v16 =	vsel vm0, $0x1, v7  }
0x160: {  	(xrf0) =	vadd.scan.msk.s32 $0xffff, v16;
	_ =	sdelay $0x4  }
0x161: {  	v16 =	vsel vm0, $0xFFFFFFFF, v7  }
0x162: {  	v16 =	vadd.s32 s28, v16;
	v17, _, _ =	vpop (xrf0)  }
0x163: {  	v16 =	vadd.s32 v17, v16;
	(v2sf) =	vpush v17, $0xF  }
0x164: {  	v18 =	vld [tilespmem:s25+$0x0]  }
0x165: {  	p1 =	sne.s32 s1, $0x1  }
.Ltmp23:
0x166: {  	_ = 	snop;
	(pc) =	sbr.rel @!p1 .LBB2_38-.Ltmp23, $4  }
0x167: {  	_ = 	snop  }
0x168: {  	[tilespmem:v16+s22+$0x0] =	vst.idx.msk vm0, v15  }
0x169: {  	s2 =	simm.s32 $0x810;
	s1 =	sadd.s32 $0xFFFFFFFF, s1;
	[tilespmem:v16+s23+$0x0] =	vst.idx.msk vm0, v18  }
0x16a: {  	p0 =	por $0x1, $0x1;
	s29 =	smov.u32 s28;
	s26 =	simm.s32 $0x4820;
	v15 =	vld [tilespmem:s2+$0x0]  }
.LBB2_39:
0x16b: {  	p1 =	sne.s32 s1, $0x1;
	_ =	sdelay $0x3  }
0x16c: {  	vm0 =	vge.s32 v15, v5;
	vm1 =	vlt.s32 v15, v1  }
0x16d: {  	vm0 =	vmand vm0, vm1  }
0x16e: {  	v16 =	vsel vm0, $0xFFFFFFFF, v7;
	v17 =	vsel vm0, $0x1, v7  }
0x16f: {  	(xrf0) =	vadd.scan.msk.s32 $0xffff, v17;
	s16 =	spop (v2sf)  }
0x170: {  	s29 =	sadd.s32 s29, s16  }
0x171: {  	v16 =	vadd.s32 s29, v16;
	_ =	sdelay $0x3  }
0x172: {  	v17, _, _ =	vpop (xrf0)  }
0x173: {  	s26 =	sadd.s32 $0x10, s26;
	v16 =	vadd.s32 v17, v16;
	(v2sf) =	vpush v17, $0xF  }
0x174: {  	v17 =	vld [tilespmem:s26+$0x0];
	_ =	sdelay $0x1  }
.Ltmp24:
0x175: {  	(pc) =	sbr.rel @p1 .LBB2_39-.Ltmp24, $4  }
0x176: {  	_ = 	snop  }
0x177: {  	[tilespmem:v16+s22+$0x0] =	vst.idx.msk vm0, v15  }
0x178: {  	s2 =	sadd.s32 $0x10, s2;
	[tilespmem:v16+s23+$0x0] =	vst.idx.msk vm0, v17  }
0x179: {  	s1 =	sadd.s32 $0xFFFFFFFF, s1;
	v15 =	vld [tilespmem:s2+$0x0]  }
.LBB2_40:
0x17a: {  	_ =	sdelay $0x3  }
0x17b: {  	vm0 =	vge.s32 v15, v5;
	vm1 =	vlt.s32 v15, v1  }
0x17c: {  	vm0 =	vmand vm0, vm1  }
0x17d: {  	v16 =	vsel vm0, $0x1, v7  }
0x17e: {  	(xrf0) =	vadd.scan.msk.s32 $0xffff, v16;
	_ =	sdelay $0x5  }
0x17f: {  	v16, _, _ =	vpop (xrf0)  }
0x180: {  	(v2sf) =	vpush v16, $0xF;
	_ =	sdelay $0x5  }
0x181: {  	s1 =	spop @p0 (v2sf)  }
0x182: {  	s1 =	sadd.s32 @p0 s29, s1  }
0x183: {  	v17 =	vsel vm0, $0xFFFFFFFF, v7;
	s28 =	smov.u32 @p0 s1  }
0x184: {  	s1 =	sadd.s32 @p0 $0x10, s26;
	v17 =	vadd.s32 s28, v17  }
0x185: {  	s25 =	smov.u32 @p0 s1;
	v16 =	vadd.s32 v16, v17  }
0x186: {  	v63 =	vld [tilespmem:s25+$0x0];
	_ =	sdelay $0x3  }
0x187: {  	[tilespmem:v16+s22+$0x0] =	vst.idx.msk vm0, v15;
	s31 =	spop (v2sf)  }
0x188: {  	[tilespmem:v16+s23+$0x0] =	vst.idx.msk vm0, v63;
	s28 =	sadd.s32 s28, s31  }
.LBB2_41:
0x189: {  	_ =	sdelay $0x2  }
0x18a: {  	v15 =	vmov s28  }
0x18b: {  	[tilespmem:v13+s15+$0x0] =	vst.idx.msk $0x1, v15  }
0x18c: {  	[tilespmem:s28+$0xCD60] =	vst v7  }
0x18d: {  	[tilespmem:s28+$0xCD70] =	vst v7  }
0x18e: {  	[tilespmem:s28+$0xCD80] =	vst v7  }
0x18f: {  	[tilespmem:s28+$0xCD90] =	vst v7  }
0x190: {  	[tilespmem:s28+$0xCDA0] =	vst v7  }
0x191: {  	[tilespmem:s28+$0xCDB0] =	vst v7  }
0x192: {  	[tilespmem:s28+$0xCDC0] =	vst v7  }
0x193: {  	[tilespmem:s28+$0xCDD0] =	vst v7  }
0x194: {  	v15 =	vld.idx.msk [tilespmem:v14+s15+$0x0], $0xffff;
	_ =	sdelay $0x3  }
0x195: {  	vm0 =	veq.s32 v8, $0x0  }
0x196: {  	v15 =	vsel vm0, $0x0, v15  }
0x197: {  	v15 =	vadd.s32 $0x7F, v15  }
0x198: {  	v16 =	vshra.s32 v15, $0x1F;
	v17 =	vand.u32 $0x7F, v15  }
0x199: {  	s1 =	sadd.s32 $0x7F, s28;
	vm15 =	vlt.s32 v15, $0x1;
	v16 =	vshrl.u32 v16, $0x19;
	vm1 =	vne.s32 v17, $0x0  }
0x19a: {  	s16 =	sand.u32 $0x7F, s1;
	v61 =	vld [tilespmem:$0x11280];
	v15 =	vadd.s32 v16, v15;
	vm0 =	vmand vm15, vm1  }
0x19b: {  	s2 =	sshra.s32 s1, $0x1F;
	p1 =	slt.s32 s1, $0x1;
	p0 =	sne.s32 s16, $0x0;
	v15 =	vshrl.u32 v15, $0x7;
	v62 =	vsel vm0, $0xFFFFFFFF, v7  }
0x19c: {  	s2 =	sshrl.u32 s2, $0x19;
	p0 =	por !p1, !p0;
	v15 =	vadd.s32 v62, v15  }
0x19d: {  	s1 =	sadd.s32 s2, s1;
	s2 =	simm.s32 $0x1;
	p0 =	por !p0, !p0;
	v15 =	vshll.u32 v15, $0x7  }
0x19e: {  	s1 =	sshrl.u32 s1, $0x7;
	s2 =	simm.s32 @!p0 $0x0;
	v63 =	vadd.s32 v6, v15  }
0x19f: {  	s1 =	ssub.s32 s1, s2;
	v15 =	vsub.s32 v61, v15;
	[tilespmem:$0x11290] =	vst v63  }
0x1a0: {  	s31 =	simm.s32 $0x11290;
	s1 =	sshll.u32 s1, $0x7;
	[tilespmem:$0x112A0] =	vst v15  }
0x1a1: {  	[hbm4b:s6+s4] =	stream.linear.scatter [tilespmem:s31], [sflag:$0x2], $0x10, $0x38;
	[tilespmem:$0x133B0] =	vst v63  }
0x1a2: {  	s25 =	sshra.s32 s1, $0x7;
	_ =	swait.ge [sflag:s11], $0x10  }
0x1a3: {  	p0 =	slt.s32 s25, $0x1;
	[sflag:s11] =	ssyncset.done $0x0  }
.Ltmp25:
0x1a4: {  	[sflag:s11] =	ssyncadd.s32 $0xFFFFFFF0;
	(pc) =	sbr.rel @p0 .LBB2_45-.Ltmp25, $4  }
0x1a5: {  	[hbm4b:s7+s4] =	stream.linear.scatter [tilespmem:s17], [sflag:$0x2], $0x10, $0x38;
	[tilespmem:$0x133B0] =	vst v63  }
0x1a6: {  	_ =	swait.ge [sflag:s11], $0x10  }
0x1a7: {  	[sflag:s11] =	ssyncset.done $0x0  }
0x1a8: {  	[sflag:s11] =	ssyncadd.s32 $0xFFFFFFF0  }
0x1a9: {  	s1 =	simm.s32 $0x8880  }
0x1aa: {  	v15 =	vld [tilespmem:s1+$0xFFFFFFC0];
	_ =	sdelay $0x4  }
0x1ab: {  	s2 =	simm.s32 $0xCDA0;
	[tilespmem:$0x11330] =	vst v15  }
0x1ac: {  	v15 =	vld [tilespmem:s2+$0xFFFFFFC0];
	_ =	sdelay $0x4  }
0x1ad: {  	[tilespmem:$0x112B0] =	vst v15  }
0x1ae: {  	v15 =	vld [tilespmem:s1+$0xFFFFFFD0];
	_ =	sdelay $0x4  }
0x1af: {  	[tilespmem:$0x11340] =	vst v15  }
0x1b0: {  	v15 =	vld [tilespmem:s2+$0xFFFFFFD0];
	_ =	sdelay $0x4  }
0x1b1: {  	[tilespmem:$0x112C0] =	vst v15  }
0x1b2: {  	v15 =	vld [tilespmem:s1+$0xFFFFFFE0];
	_ =	sdelay $0x4  }
0x1b3: {  	[tilespmem:$0x11350] =	vst v15  }
0x1b4: {  	v15 =	vld [tilespmem:s2+$0xFFFFFFE0];
	_ =	sdelay $0x4  }
0x1b5: {  	[tilespmem:$0x112D0] =	vst v15  }
0x1b6: {  	v15 =	vld [tilespmem:s1+$0xFFFFFFF0];
	_ =	sdelay $0x4  }
0x1b7: {  	[tilespmem:$0x11360] =	vst v15  }
0x1b8: {  	v15 =	vld [tilespmem:s2+$0xFFFFFFF0];
	_ =	sdelay $0x4  }
0x1b9: {  	[tilespmem:$0x112E0] =	vst v15  }
0x1ba: {  	v15 =	vld [tilespmem:s1+$0x0];
	_ =	sdelay $0x4  }
0x1bb: {  	[tilespmem:$0x11370] =	vst v15  }
0x1bc: {  	v15 =	vld [tilespmem:s2+$0x0];
	_ =	sdelay $0x4  }
0x1bd: {  	[tilespmem:$0x112F0] =	vst v15  }
0x1be: {  	v15 =	vld [tilespmem:s1+$0x10];
	_ =	sdelay $0x4  }
0x1bf: {  	[tilespmem:$0x11380] =	vst v15  }
0x1c0: {  	v15 =	vld [tilespmem:s2+$0x10];
	_ =	sdelay $0x4  }
0x1c1: {  	[tilespmem:$0x11300] =	vst v15  }
0x1c2: {  	v15 =	vld [tilespmem:s1+$0x20];
	_ =	sdelay $0x4  }
0x1c3: {  	[tilespmem:$0x11390] =	vst v15  }
0x1c4: {  	v15 =	vld [tilespmem:s2+$0x20];
	_ =	sdelay $0x4  }
0x1c5: {  	[tilespmem:$0x11310] =	vst v15  }
0x1c6: {  	v15 =	vld [tilespmem:s1+$0x30];
	_ =	sdelay $0x4  }
0x1c7: {  	[tilespmem:$0x113A0] =	vst v15  }
0x1c8: {  	v15 =	vld [tilespmem:s2+$0x30];
	_ =	sdelay $0x4  }
0x1c9: {  	[tilespmem:$0x11320] =	vst v15  }
0x1ca: {  	[tilespmem:s20], [sflag:$0x1] =	stream.indirect.gather [hbm4b:s5+s18], $0x40, s19, s18, $0xb8;
	[tilespmem:$0x133B0] =	vst v63  }
0x1cb: {  	_ =	swait.ge [sflag:s14], $0x2000  }
0x1cc: {  	[sflag:s14] =	ssyncset.done $0x0  }
0x1cd: {  	[sflag:s14] =	ssyncadd.s32 $0xFFFFE000  }
0x1ce: {  	[hbm4b:s9+s4] =	stream.linear.scatter [tilespmem:s21], [sflag:$0x2], $0x80, $0x38;
	[tilespmem:$0x133B0] =	vst v63  }
0x1cf: {  	p0 =	sne.s32 s25, $0x1;
	_ =	swait.ge [sflag:s11], $0x80  }
.Ltmp26:
0x1d0: {  	s31 =	sand.u32 $0x1FFFFC00, s10;
	[sflag:s11] =	ssyncset.done $0x0;
	(pc) =	sbr.rel @!p0 .LBB2_44-.Ltmp26, $4  }
0x1d1: {  	s25 =	sadd.s32 $0xFFFFFFFF, s25;
	s1 =	sadd.s32 s3, s31;
	[sflag:s11] =	ssyncadd.s32 $0xFFFFFF80  }
0x1d2: {  	[hbm4b:s1+s4] =	stream.linear.scatter [tilespmem:s20], [sflag:$0x2], $0x2000, $0x38;
	[tilespmem:$0x133B0] =	vst v63  }
0x1d3: {  	s26 =	simm.s32 $0xCE20;
	s28 =	simm.s32 $0x8900;
	_ =	swait.ge [sflag:s11], $0x2000  }
0x1d4: {  	s29 =	smov.u32 s9;
	s30 =	smov.u32 s10;
	[sflag:s11] =	ssyncset.done $0x0  }
.LBB2_43:
0x1d5: {  	[sflag:s11] =	ssyncadd.s32 $0xFFFFE000;
	s29 =	sadd.s32 $0x10, s29;
	s30 =	sadd.s32 $0x400, s30  }
0x1d6: {  	p0 =	sne.s32 s25, $0x1;
	s25 =	sadd.s32 $0xFFFFFFFF, s25;
	v15 =	vld [tilespmem:s28+$0xFFFFFFC0];
	_ =	sdelay $0x4  }
0x1d7: {  	[tilespmem:$0x11330] =	vst v15  }
0x1d8: {  	v15 =	vld [tilespmem:s26+$0xFFFFFFC0];
	_ =	sdelay $0x4  }
0x1d9: {  	[tilespmem:$0x112B0] =	vst v15  }
0x1da: {  	v15 =	vld [tilespmem:s28+$0xFFFFFFD0];
	_ =	sdelay $0x4  }
0x1db: {  	[tilespmem:$0x11340] =	vst v15  }
0x1dc: {  	v15 =	vld [tilespmem:s26+$0xFFFFFFD0];
	_ =	sdelay $0x4  }
0x1dd: {  	[tilespmem:$0x112C0] =	vst v15  }
0x1de: {  	v15 =	vld [tilespmem:s28+$0xFFFFFFE0];
	_ =	sdelay $0x4  }
0x1df: {  	[tilespmem:$0x11350] =	vst v15  }
0x1e0: {  	v15 =	vld [tilespmem:s26+$0xFFFFFFE0];
	_ =	sdelay $0x4  }
0x1e1: {  	[tilespmem:$0x112D0] =	vst v15  }
0x1e2: {  	v15 =	vld [tilespmem:s28+$0xFFFFFFF0];
	_ =	sdelay $0x4  }
0x1e3: {  	[tilespmem:$0x11360] =	vst v15  }
0x1e4: {  	v15 =	vld [tilespmem:s26+$0xFFFFFFF0];
	_ =	sdelay $0x4  }
0x1e5: {  	[tilespmem:$0x112E0] =	vst v15  }
0x1e6: {  	v15 =	vld [tilespmem:s28+$0x0];
	_ =	sdelay $0x4  }
0x1e7: {  	[tilespmem:$0x11370] =	vst v15  }
0x1e8: {  	v15 =	vld [tilespmem:s26+$0x0];
	_ =	sdelay $0x4  }
0x1e9: {  	[tilespmem:$0x112F0] =	vst v15  }
0x1ea: {  	v15 =	vld [tilespmem:s28+$0x10];
	_ =	sdelay $0x4  }
0x1eb: {  	[tilespmem:$0x11380] =	vst v15  }
0x1ec: {  	v15 =	vld [tilespmem:s26+$0x10];
	_ =	sdelay $0x4  }
0x1ed: {  	[tilespmem:$0x11300] =	vst v15  }
0x1ee: {  	v15 =	vld [tilespmem:s28+$0x20];
	_ =	sdelay $0x4  }
0x1ef: {  	[tilespmem:$0x11390] =	vst v15  }
0x1f0: {  	v15 =	vld [tilespmem:s26+$0x20];
	_ =	sdelay $0x4  }
0x1f1: {  	[tilespmem:$0x11310] =	vst v15  }
0x1f2: {  	v15 =	vld [tilespmem:s28+$0x30];
	_ =	sdelay $0x4  }
0x1f3: {  	[tilespmem:$0x113A0] =	vst v15  }
0x1f4: {  	v15 =	vld [tilespmem:s26+$0x30];
	_ =	sdelay $0x4  }
0x1f5: {  	[tilespmem:$0x11320] =	vst v15  }
0x1f6: {  	[tilespmem:s20], [sflag:$0x1] =	stream.indirect.gather [hbm4b:s5+s18], $0x40, s19, s18, $0xb8;
	[tilespmem:$0x133B0] =	vst v63  }
0x1f7: {  	_ =	swait.ge [sflag:s14], $0x2000  }
0x1f8: {  	[sflag:s14] =	ssyncset.done $0x0  }
0x1f9: {  	[sflag:s14] =	ssyncadd.s32 $0xFFFFE000  }
0x1fa: {  	[hbm4b:s29+s4] =	stream.linear.scatter [tilespmem:s21], [sflag:$0x2], $0x80, $0x38;
	[tilespmem:$0x133B0] =	vst v63  }
0x1fb: {  	_ =	swait.ge [sflag:s11], $0x80  }
.Ltmp27:
0x1fc: {  	s1 =	sand.u32 $0x1FFFFC00, s30;
	[sflag:s11] =	ssyncset.done $0x0;
	(pc) =	sbr.rel @p0 .LBB2_43-.Ltmp27, $4  }
0x1fd: {  	s1 =	sadd.s32 s3, s1;
	[sflag:s11] =	ssyncadd.s32 $0xFFFFFF80  }
0x1fe: {  	[hbm4b:s1+s4] =	stream.linear.scatter [tilespmem:s20], [sflag:$0x2], $0x2000, $0x38;
	[tilespmem:$0x133B0] =	vst v63  }
0x1ff: {  	_ =	swait.ge [sflag:s11], $0x2000  }
0x200: {  	s28 =	sadd.s32 $0x80, s28;
	s26 =	sadd.s32 $0x80, s26;
	[sflag:s11] =	ssyncset.done $0x0  }
.Ltmp28:
0x201: {  	_ = 	snop;
	(pc) =	sbr.rel .LBB2_44-.Ltmp28, $1  }
0x202: {  	_ =	sdelay $0x3  }
.LBB2_8:
.Ltmp29:
0x203: {  	(pc) =	sbr.rel .LBB2_12-.Ltmp29, $2  }
0x204: {  	_ =	sdelay $0x2  }
0x205: {  	s31 =	simm.s32 $0x0;
	s30 =	simm.s32 $0x4820  }
.LBB2_15:
.Ltmp30:
0x206: {  	(pc) =	sbr.rel .LBB2_19-.Ltmp30, $2  }
0x207: {  	_ =	sdelay $0x2  }
0x208: {  	s31 =	smov.u32 s28;
	s30 =	simm.s32 $0x4820  }
.LBB2_22:
.Ltmp31:
0x209: {  	(pc) =	sbr.rel .LBB2_26-.Ltmp31, $2  }
0x20a: {  	_ =	sdelay $0x2  }
0x20b: {  	s31 =	smov.u32 s28;
	s30 =	simm.s32 $0x4820  }
.LBB2_29:
.Ltmp32:
0x20c: {  	(pc) =	sbr.rel .LBB2_33-.Ltmp32, $2  }
0x20d: {  	_ =	sdelay $0x2  }
0x20e: {  	s31 =	smov.u32 s28;
	s30 =	simm.s32 $0x4820  }
.LBB2_36:
.Ltmp33:
0x20f: {  	(pc) =	sbr.rel .LBB2_40-.Ltmp33, $2  }
0x210: {  	_ =	sdelay $0x2  }
0x211: {  	s29 =	smov.u32 s28;
	s26 =	simm.s32 $0x4820  }
.LBB2_10:
.Ltmp34:
0x212: {  	(pc) =	sbr.rel .LBB2_12-.Ltmp34, $2  }
0x213: {  	_ =	sdelay $0x2  }
0x214: {  	s31 =	simm.s32 $0x0;
	s30 =	simm.s32 $0x4820  }
.LBB2_17:
.Ltmp35:
0x215: {  	(pc) =	sbr.rel .LBB2_19-.Ltmp35, $2  }
0x216: {  	_ =	sdelay $0x2  }
0x217: {  	s31 =	smov.u32 s28;
	s30 =	simm.s32 $0x4820  }
.LBB2_24:
.Ltmp36:
0x218: {  	(pc) =	sbr.rel .LBB2_26-.Ltmp36, $2  }
0x219: {  	_ =	sdelay $0x2  }
0x21a: {  	s31 =	smov.u32 s28;
	s30 =	simm.s32 $0x4820  }
.LBB2_31:
.Ltmp37:
0x21b: {  	(pc) =	sbr.rel .LBB2_33-.Ltmp37, $2  }
0x21c: {  	_ =	sdelay $0x2  }
0x21d: {  	s31 =	smov.u32 s28;
	s30 =	simm.s32 $0x4820  }
.LBB2_38:
.Ltmp38:
0x21e: {  	(pc) =	sbr.rel .LBB2_40-.Ltmp38, $2  }
0x21f: {  	_ =	sdelay $0x2  }
0x220: {  	s29 =	smov.u32 s28;
	s26 =	simm.s32 $0x4820  }
.LBB2_46:
0x221: {  	_ =	sfence.sel $0x180000  }
0x222: {  	[bflag:$0x0] =	sbarrier.arrive $0xFFFF  }
0x223: {  	_ =	strace $0x90000047  }
0x224: {  	s0 =	stileid.u32;
	[bflag:$0x2] =	sbarrier.arrive $0xFFFF  }
0x225: {  	p0 =	sne.s32 s0, $0x0;
	s0 =	rddreg [dreg:$0x6]  }
0x226: {  	s0 =	sadd.s32 @!p0 $0x100000, s0  }
0x227: {  	[sflag:s0] =	ssyncadd.tile.s32 @!p0 $0x1;
	_ =	shalt  }
.Lfunc_end2:
_tile_overlayer_lowered:
.L_overlay_start_2:
0x228: {  	(tag) =	ssettag $0x2  }
0x229: {  	s0 =	rddreg [dreg:$0x0];
	s2 =	stileid.u32  }
0x22a: {  	s1 =	rddreg [dreg:$0x1];
	p0 =	sne.s32 s2, $0x0  }
0x22b: {  	s3 =	rddreg [dreg:$0x2];
	[bflag:$0x3] =	sbarrier.arrive $0xFFFF;
	s2 =	simm.s32 @!p0 $0x1C02  }
0x22c: {  	[timem:s3], [sflag:s2] =	dma.local @!p0 [hbm:s0], s1  }
0x22d: {  	s0 =	simm.s32 @!p0 $0x2  }
0x22e: {  	_ =	swait.ge @!p0 [sflag:s0], s1  }
0x22f: {  	s1 =	ssub.s32 @!p0 $0x0, s1;
	[sflag:s0] =	ssyncset.done @!p0 $0x0  }
0x230: {  	[sflag:s0] =	ssyncadd.s32 @!p0 s1  }
0x231: {  	[bflag:$0x3] =	sbarrier.arrive $0xFFFF  }
0x232: {  	_ =	shalt  }

// kernel: sparse-core-data-format-call.cloned.1.call-start
scs
called_computation_lowered:
.L_overlay_start_0:
0x0: {  	s2 =	sld [smem:$0x3FD9]  }
0x1: {  	s3 =	sld [smem:$0x3FFE];
	_ =	sdelay $0x1  }
0x2: {  	s1 =	srdreg.scid  }
0x3: {  	s0 =	sand.u32 $0x1, s1  }
0x4: {  	s15 =	sshll.u32 s0, $0xA;
	s2 =	sadd.s32 s3, s2  }
0x5: {  	s2 =	sadd.s32 s2, s15  }
0x6: {  	[smem:$0x3FC6] =	sst s2  }
0x7: {  	_ = 	snop  }
0x8: {  	s2 =	sld [smem:$0x3FD0];
	_ =	sdelay $0x2  }
0x9: {  	s16 =	simm.s32 $0xA;
	s4 =	simm.s32 $0x10  }
0xa: {  	[smem:s4], [sflag:s16] =	dma.local [hbm:s2], $0x1  }
0xb: {  	_ =	swait.eq [sflag:s16], $0x1  }
0xc: {  	[sflag:s16] =	ssyncset.done $0x0  }
0xd: {  	[sflag:s16] =	ssyncadd.s32 $0xFFFFFFFF  }
0xe: {  	s17 =	sld [smem:$0x13];
	(tm) =	ssettm $0x1  }
0xf: {  	s18 =	sld [smem:$0x3FFB];
	_ =	sdelay $0x3  }
0x10: {  	_ =	strace s18  }
0x11: {  	s3 =	sld [smem:$0x3FFC];
	_ =	sdelay $0x3  }
0x12: {  	_ =	strace s3  }
0x13: {  	s3 =	sld [smem:$0x3FFD];
	_ =	sdelay $0x3  }
0x14: {  	_ =	strace s3  }
0x15: {  	_ =	strace $0x8FFFFFFF  }
0x16: {  	s19 =	sld [smem:$0x3FDB];
	_ =	sdelay $0x1  }
0x17: {  	s20 =	simm.s32 $_scs_section_size  }
0x18: {  	s5 =	simm.s32 $_size__tile_overlayer_lowered;
	s6 =	simm.s32 $_tile_overlayer_lowered  }
0x19: {  	s23 =	simm.s32 $0x1BFF;
	s22 =	sshll.u32 s6, $0x1;
	s3 =	sadd.s32 s20, s19  }
0x1a: {  	s7 =	simm.s32 $0x0;
	s21 =	sshll.u32 s5, $0x1;
	s5 =	sadd.s32 s22, s3  }
0x1b: {  	[timem:s7], [sflag:s23] =	dma.local [hbm:s5], s21  }
0x1c: {  	_ =	swait.ge [sflag:s23], s21  }
0x1d: {  	s4 =	ssub.s32 $0x0, s21;
	[sflag:s23] =	ssyncset.done $0x0  }
0x1e: {  	[sflag:s23] =	ssyncadd.s32 s4;
	_ =	sdelay $0x1  }
0x1f: {  	s24 =	simm.s32 $0x1B8B  }
0x20: {  	_ =	swait.ge [sflag:s24], $0x1  }
0x21: {  	[sflag:s24] =	ssyncset.done $0x0  }
0x22: {  	s26 =	simm.s32 $0x1B8E;
	s25 =	sld [smem:$0x3FFE];
	[sflag:s24] =	ssyncadd.s32 $0xFFFFFFFF  }
0x23: {  	s27 =	simm.s32 $execute0_lowered;
	[smem:$0x3FD2] =	sst s26  }
0x24: {  	s5 =	sshll.u32 s27, $0x1;
	_ =	strace $0x80000049;
	[dreg:$0x1] =	wrdreg $0xFFFFFFFF  }
0x25: {  	s28 =	simm.s32 $_size_execute0_lowered;
	s3 =	sadd.s32 s3, s5;
	[dreg:$0x0] =	wrdreg $0x0  }
0x26: {  	s5 =	sshll.u32 s28, $0x1;
	[dreg:$0x2] =	wrdreg s3  }
0x27: {  	[dreg:$0x3] =	wrdreg s5  }
0x28: {  	[dreg:$0x4] =	wrdreg $0xC0  }
0x29: {  	_ =	task [dreg:s7], $0x5FFFF  }
0x2a: {  	[dreg:$0x1] =	wrdreg $0xFFFFFFFF  }
0x2b: {  	[dreg:$0x0] =	wrdreg $0x60  }
0x2c: {  	[dreg:$0x2] =	wrdreg s25  }
0x2d: {  	[dreg:$0x3] =	wrdreg s17  }
0x2e: {  	[dreg:$0x4] =	wrdreg $0x9  }
0x2f: {  	_ =	task.clear_ibuf [dreg:s7], $0x5FFFF;
	_ =	strace $0x90000049  }
0x30: {  	s29 =	simm.s32 $0x9;
	_ =	strace $0x8000004B  }
0x31: {  	_ =	swait.ge [sflag:s29], $0x1  }
0x32: {  	[sflag:s29] =	ssyncadd.s32 $0xFFFFFFFF  }
0x33: {  	_ =	strace $0x9000004B  }
0x34: {  	_ =	sfence  }
0x35: {  	s30 =	sld [smem:$0x0];
	_ =	sdelay $0x2  }
0x36: {  	s31 =	sshll.u32 s1, $0xD;
	s1 =	sshrl.u32 s1, $0x2  }
0x37: {  	s3 =	sand.u32 $0x4000, s31;
	s1 =	sadd.s32 s1, s30  }
0x38: {  	s0 =	sor.u32 s3, s0;
	s1 =	sshll.u32 s1, $0x11  }
0x39: {  	s0 =	sor.u32 s1, s0  }
0x3a: {  	s0 =	sadd.s32 $0x8F2B, s0  }
0x3b: {  	[sflag:s0] =	ssyncadd.remote.s32 $0x1  }
0x3c: {  	_ =	sfence.sel $0xFFFF  }
0x3d: {  	[dreg:$0x0] =	wrdreg $0xFFFFFFFF;
	(pc) =	sbr.abs _section_cstart, $3  }
0x3e: {  	[dreg:$0x1] =	wrdreg $0xFFFFFFFF  }
0x3f: {  	_ =	task.clear_ibuf [dreg:s7], $0x2FFFF;
	_ =	strace $0x9FFFFFFF  }
0x40: {  	(tm) =	ssettm $0x7FFFFFFF  }
0x41: {  	_ =	shalt  }
tec
execute0_lowered:
.L_overlay_start_1:
0x0: {  	(tag) =	ssettag $0x1  }
0x1: {  	s0 =	srdreg.scid  }
0x2: {  	s1 =	sshll.u32 s0, $0x4  }
0x3: {  	s4 =	rddreg [dreg:$0x0];
	s0 =	stileid.u32;
	s1 =	sand.u32 $0x10, s1  }
0x4: {  	s2 =	rddreg [dreg:$0x1];
	s7 =	simm.s32 $0x1;
	s1 =	sor.u32 s0, s1  }
0x5: {  	s8 =	simm.s32 $0x2;
	s11 =	simm.s32 $0x0;
	s3 =	sshll.u32 s1, $0x7  }
0x6: {  	s10 =	simm.s32 $0x0;
	s4 =	sadd.s32 $0xC00, s4;
	s6 =	ssub.s32 $0x8A000, s3  }
.Ltmp0:
0x7: {  	s1 =	rddreg [dreg:$0x2];
	s5 =	sand.u32 $0xF80, s6;
	(pc) =	sbr.rel .LBB1_1-.Ltmp0, $4  }
0x8: {  	_ =	strace $0x8000004A;
	s9 =	smov.u32 s3;
	p0 =	sne.s32 s5, $0x0  }
0x9: {  	s6 =	sshrl.u32 s6, $0xC;
	s5 =	simm.s32 $0x1;
	s7 =	simm.s32 @!p0 $0x0  }
0xa: {  	[sflag:s5] =	ssyncpa.u1 $0x0;
	p0 =	por $0x0, $0x0;
	s6 =	sadd.s32 s7, s6  }
0xb: {  	[sflag:s8] =	ssyncpa.u1 $0x0;
	s8 =	simm.s32 $0x450000;
	s7 =	sadd.s32 $0x1, s6  }
.LBB1_4:
0xc: {  	s14 =	sshll.u32 s11, $0x3  }
0xd: {  	s30 =	sand.u32 $0x7F, s11;
	s15 =	sand.u32 $0xFFFFFC00, s14  }
0xe: {  	s11 =	sor.u32 s30, s15  }
0xf: {  	s15 =	smulhi.u32 $0x76B981DB, s11  }
0x10: {  	s14 =	smulhi.u32 $0x76B981DB, s14  }
0x11: {  	s15 =	sshrl.u32 s15, $0x12  }
0x12: {  	s14 =	sshrl.u32 s14, $0x12;
	s15 =	smul.u32 $0x8A000, s15  }
0x13: {  	s14 =	sand.u32 $0x3F, s14  }
0x14: {  	s14 =	smul.u32 $0x11400, s14;
	s11 =	ssub.s32 s11, s15  }
0x15: {  	[tilespmem:s13+$0x810 ss:$0x81] =	vst.msk $0xffff, v2;
	s15 =	sand.u32 $0x7, s11  }
0x16: {  	[tilespmem:s13+$0x1020 ss:$0x81] =	vst.msk $0xffff, v0;
	s14 =	sadd.s32 s2, s14;
	s11 =	sshrl.u32 s11, $0x3;
	s15 =	sshll.u32 s15, $0x12  }
0x17: {  	[tilespmem:s13+$0x0 ss:$0x81] =	vst.msk $0xffff, v1;
	s11 =	sadd.s32 s11, s14;
	s31 =	sor.u32 $0x400, s15  }
0x18: {  	[hbm4b:s11+s31] =	stream.strided.scatter [tilespmem:s12], [sflag:$0x2], $0x2000, s8, s31, $0x20;
	[tilespmem:$0x8080] =	vst v63  }
.LBB1_5:
0x19: {  	s13 =	sadd.s32 $0x1000, s9  }
0x1a: {  	p2 =	sgt.s32 s13, $0x89FFF  }
0x1b: {  	s13 =	smov.u32 @p2 s3;
	p2 =	sne.s32 s10, s7  }
.Ltmp1:
0x1c: {  	p1 =	slt.u32 s10, $0x2;
	(pc) =	sbr.rel @!p2 .LBB1_6-.Ltmp1, $4  }
0x1d: {  	s12 =	simm.s32 @!p1 $0x2  }
0x1e: {  	s14 =	sadd.s32 $0x1, s10;
	_ =	swait.ge @!p1 [sflag:s12], $0x2000  }
0x1f: {  	s11 =	smov.u32 s9;
	p0 =	por !p0, !p0;
	[sflag:s12] =	ssyncset.done @!p1 $0x0  }
0x20: {  	s10 =	smov.u32 s14;
	s9 =	smov.u32 s13;
	[sflag:s12] =	ssyncadd.s32 @!p1 $0xFFFFE000  }
.LBB1_1:
0x21: {  	p1 =	sge.u32 s10, s6  }
0x22: {  	s12 =	sand.u32 @!p1 $0x1FFFFFF, s9  }
0x23: {  	s13 =	smulhi.u32 @!p1 $0x3B5CC1, s12;
	_ =	sdelay $0x1  }
0x24: {  	s13 =	sshrl.u32 @!p1 s13, $0x9  }
0x25: {  	s13 =	smul.u32 @!p1 $0x8A000, s13;
	_ =	sdelay $0x1  }
0x26: {  	s31 =	sadd.s32 $0xFFFFFFFF, s10;
	s14 =	sxor.u32 @!p1 $0xFFFFFFFF, s10;
	s12 =	ssub.s32 @!p1 s12, s13  }
0x27: {  	s15 =	simm.s32 @!p1 $0x80;
	s14 =	sshll.u32 @!p1 s14, $0xD;
	s12 =	sshll.u32 @!p1 s12, $0x4  }
0x28: {  	s13 =	sand.u32 @!p1 $0x2000, s14;
	s14 =	simm.s32 @!p1 $0x40;
	s12 =	sadd.s32 @!p1 s4, s12  }
0x29: {  	[tilespmem:s13], [sflag:$0x1] =	stream.strided.gather @!p1 [hbm4b:s12+s14], $0x2000, s15, s14, $0x38;
	[tilespmem:$0x8080] =	vst v63  }
0x2a: {  	p1 =	sge.u32 s31, s6  }
.Ltmp2:
0x2b: {  	_ = 	snop;
	(pc) =	sbr.rel @p1 .LBB1_5-.Ltmp2, $1  }
0x2c: {  	_ =	sdelay $0x3  }
0x2d: {  	s12 =	simm.s32 $0x1  }
0x2e: {  	_ =	swait.ge [sflag:s5], $0x2000;
	s12 =	simm.s32 @!p0 $0x0  }
0x2f: {  	[sflag:s5] =	ssyncset.done $0x0;
	s13 =	sshll.u32 s12, $0xD  }
0x30: {  	[sflag:s5] =	ssyncadd.s32 $0xFFFFE000;
	s16 =	sor.u32 $0x20, s13  }
0x31: {  	s12 =	smul.u32 $0x8100, s12;
	v3 =	vld [tilespmem:s16+$0x10]  }
0x32: {  	s30 =	sand.u32 $0x1, s10;
	v2 =	vld [tilespmem:s16+$0xFFFFFFF0]  }
0x33: {  	s13 =	smul.u32 $0x8100, s30;
	s12 =	sshrl.u32 s12, $0x2;
	v0 =	vld [tilespmem:s16+$0x0]  }
0x34: {  	v1 =	vld [tilespmem:s16+$0xFFFFFFE0];
	s14 =	sor.u32 $0x4000, s12  }
0x35: {  	s31 =	sshrl.u32 s13, $0x2;
	s13 =	sadd.s32 $0x0, s14  }
0x36: {  	s15 =	simm.s32 $0x4;
	s16 =	sadd.s32 $0x40, s16;
	s12 =	sor.u32 $0x4000, s31;
	[tilespmem:s13+$0x1830 ss:$0x81] =	vst.msk $0xffff, v3  }
.LBB1_3:
0x37: {  	v3 =	vld [tilespmem:s16+$0x10];
	p1 =	sne.s32 s15, $0x1FC;
	[tilespmem:s13+$0x810 ss:$0x81] =	vst.msk $0xffff, v2;
	s17 =	smov.u32 s15;
	s15 =	sadd.s32 $0x4, s15  }
.Ltmp3:
0x38: {  	v2 =	vld [tilespmem:s16+$0xFFFFFFF0];
	[tilespmem:s13+$0x1020 ss:$0x81] =	vst.msk $0xffff, v0;
	(pc) =	sbr.rel @p1 .LBB1_3-.Ltmp3, $4  }
0x39: {  	v0 =	vld [tilespmem:s16+$0x0];
	[tilespmem:s13+$0x0 ss:$0x81] =	vst.msk $0xffff, v1  }
0x3a: {  	s13 =	sshra.s32 s17, $0x2;
	v1 =	vld [tilespmem:s16+$0xFFFFFFE0]  }
0x3b: {  	s13 =	sadd.s32 s13, s14  }
0x3c: {  	s16 =	sadd.s32 $0x40, s16;
	[tilespmem:s13+$0x1830 ss:$0x81] =	vst.msk $0xffff, v3  }
.Ltmp4:
0x3d: {  	_ = 	snop;
	(pc) =	sbr.rel .LBB1_4-.Ltmp4, $1  }
0x3e: {  	_ =	sdelay $0x3  }
.LBB1_6:
0x3f: {  	_ =	sfence.sel $0x180000  }
0x40: {  	s2 =	simm.s32 $0x1;
	[bflag:$0x0] =	sbarrier.arrive $0xFFFF  }
0x41: {  	s31 =	simm.s32 $0x2;
	[sflag:s2] =	ssyncpa.u1 $0x1  }
0x42: {  	[sflag:s31] =	ssyncpa.u1 $0x1  }
0x43: {  	p0 =	sne.s32 s0, $0x0;
	_ =	strace $0x9000004A  }
0x44: {  	s0 =	sadd.s32 @!p0 $0x100000, s1;
	[bflag:$0x2] =	sbarrier.arrive $0xFFFF  }
0x45: {  	[sflag:s0] =	ssyncadd.tile.s32 @!p0 $0x1;
	_ =	shalt  }
.Lfunc_end1:
_tile_overlayer_lowered:
.L_overlay_start_2:
0x46: {  	(tag) =	ssettag $0x2  }
0x47: {  	s0 =	rddreg [dreg:$0x0];
	s2 =	stileid.u32  }
0x48: {  	s1 =	rddreg [dreg:$0x1];
	p0 =	sne.s32 s2, $0x0  }
0x49: {  	s3 =	rddreg [dreg:$0x2];
	[bflag:$0x3] =	sbarrier.arrive $0xFFFF;
	s2 =	simm.s32 @!p0 $0x1C01  }
0x4a: {  	[timem:s3], [sflag:s2] =	dma.local @!p0 [hbm:s0], s1  }
0x4b: {  	s0 =	simm.s32 @!p0 $0x1  }
0x4c: {  	_ =	swait.ge @!p0 [sflag:s0], s1  }
0x4d: {  	s1 =	ssub.s32 @!p0 $0x0, s1;
	[sflag:s0] =	ssyncset.done @!p0 $0x0  }
0x4e: {  	[sflag:s0] =	ssyncadd.s32 @!p0 s1  }
0x4f: {  	[bflag:$0x3] =	sbarrier.arrive $0xFFFF  }
0x50: {  	_ =	shalt  }

</sc_bundles>
